<compile_context>
chip_gen: v7x
topology: tpu7x:2x2x1
jax: 0.10.2.dev20260603
libtpu: 0.0.44.dev20260713+nightly
codegen_flags: <defaults>
</compile_context>

<pallas_src>
import functools

import jax
import jax.numpy as jnp
from jax import lax
from jax.experimental import pallas as pl
from jax.experimental.pallas import tpu as pltpu
from jax.experimental.pallas import tpu_sc as plsc

N = 10000
E = 320000
D = 128
R = 200

NC = 2
NS = 16
NW = NC * NS
EW = E // NW
B = 64
PS = 158
EP = PS * B
NP = N + 112
ROWS_PER_TILE = NP // NS
ZR = 8


def _matmul_body(x_ref, w_ref, o_ref):
    o_ref[...] = jnp.dot(x_ref[...], w_ref[...],
                         preferred_element_type=jnp.float32)


def _combine_body(acc_ref, dense_ref, norm_ref, o_ref):
    agg = acc_ref[0] + acc_ref[1]
    xl = dense_ref[:, D:2 * D]
    xe = dense_ref[:, 2 * D:3 * D]
    touched = jnp.max(jnp.abs(agg), axis=1, keepdims=True) > 0.0
    o_ref[...] = agg * norm_ref[...] + jnp.where(touched, xl, xe)


def _edge_body(xw_hbm, rw_hbm, src_hbm, dst_hbm, et_hbm,
               accp_hbm,
               sva, dva, eva, xra, rra,
               svb, dvb, evb, xrb, rrb,
               zbuf_v, acc_s, rw_s,
               s_ia, s_ea, s_da, s_gxa, s_gra, s_sxa, s_sra,
               s_ib, s_eb, s_db, s_gxb, s_grb, s_sxb, s_srb):
    c = lax.axis_index("c")
    s = lax.axis_index("s")
    w = c * NS + s
    r0 = s * ROWS_PER_TILE

    for rr_ in range(ZR):
        for cc in range(D // 16):
            zbuf_v[rr_, pl.ds(cc * 16, 16)] = jnp.zeros((16,), jnp.float32)

    def zstep(r, carry):
        pltpu.sync_copy(zbuf_v, acc_s.at[pl.ds(r0 + r * ZR, ZR)])
        return carry

    lax.fori_loop(0, ROWS_PER_TILE // ZR, zstep, 0)

    @pl.when(s == 0)
    def _():
        pltpu.sync_copy(rw_hbm, rw_s)

    plsc.subcore_barrier()

    def body(g, carry):
        e0 = w * EP + 2 * g * B
        ia1 = pltpu.async_copy(src_hbm.at[pl.ds(e0, B)], sva, s_ia)
        ia2 = pltpu.async_copy(et_hbm.at[pl.ds(e0, B)], eva, s_ea)
        ib1 = pltpu.async_copy(src_hbm.at[pl.ds(e0 + B, B)], svb, s_ib)
        ib2 = pltpu.async_copy(et_hbm.at[pl.ds(e0 + B, B)], evb, s_eb)
        ida = pltpu.async_copy(dst_hbm.at[pl.ds(e0, B)], dva, s_da)
        idb = pltpu.async_copy(dst_hbm.at[pl.ds(e0 + B, B)], dvb, s_db)
        ia1.wait()
        ia2.wait()
        ga1 = pltpu.async_copy(xw_hbm.at[sva], xra, s_gxa)
        ga2 = pltpu.async_copy(rw_s.at[eva], rra, s_gra)
        ib1.wait()
        ib2.wait()
        gb1 = pltpu.async_copy(xw_hbm.at[svb], xrb, s_gxb)
        gb2 = pltpu.async_copy(rw_s.at[evb], rrb, s_grb)
        ida.wait()
        ga1.wait()
        ga2.wait()
        sa1 = pltpu.async_copy(xra, acc_s.at[dva], s_sxa, add=True)
        sa2 = pltpu.async_copy(rra, acc_s.at[dva], s_sra, add=True)
        idb.wait()
        gb1.wait()
        gb2.wait()
        sb1 = pltpu.async_copy(xrb, acc_s.at[dvb], s_sxb, add=True)
        sb2 = pltpu.async_copy(rrb, acc_s.at[dvb], s_srb, add=True)
        sa1.wait()
        sa2.wait()
        sb1.wait()
        sb2.wait()
        return carry

    lax.fori_loop(0, PS // 2, body, 0)
    plsc.subcore_barrier()

    pltpu.sync_copy(acc_s.at[pl.ds(r0, ROWS_PER_TILE)],
                    accp_hbm.at[c, pl.ds(r0, ROWS_PER_TILE)])


_edge_call = functools.partial(
    pl.kernel,
    mesh=plsc.VectorSubcoreMesh(core_axis_name="c", subcore_axis_name="s"),
    out_type=[jax.ShapeDtypeStruct((NC, NP, D), jnp.float32)],
    scratch_types=[
        pltpu.VMEM((B,), jnp.int32),
        pltpu.VMEM((B,), jnp.int32),
        pltpu.VMEM((B,), jnp.int32),
        pltpu.VMEM((B, D), jnp.float32),
        pltpu.VMEM((B, D), jnp.float32),
        pltpu.VMEM((B,), jnp.int32),
        pltpu.VMEM((B,), jnp.int32),
        pltpu.VMEM((B,), jnp.int32),
        pltpu.VMEM((B, D), jnp.float32),
        pltpu.VMEM((B, D), jnp.float32),
        pltpu.VMEM((ZR, D), jnp.float32),
        pltpu.VMEM_SHARED((NP, D), jnp.float32),
        pltpu.VMEM_SHARED((R, D), jnp.float32),
    ] + [pltpu.SemaphoreType.DMA] * 14,
)(_edge_body)


def _pad_edges(a, pad_val):
    a2 = a.reshape(NW, EW)
    pad = jnp.full((NW, EP - EW), pad_val, dtype=jnp.int32)
    return jnp.concatenate([a2, pad], axis=1).reshape(-1)


def kernel(x, edge_index, edge_type, norm, prev_h, emb_rel,
           weight_neighbor, loop_weight, evolve_loop_weight):
    del prev_h

    wcat = jnp.concatenate(
        [weight_neighbor, loop_weight, evolve_loop_weight], axis=1)
    xin = jnp.concatenate([x, emb_rel], axis=0)
    rows = N + R
    rb = 600
    dense = pl.pallas_call(
        _matmul_body,
        grid=(rows // rb,),
        in_specs=[
            pl.BlockSpec((rb, D), lambda i: (i, 0)),
            pl.BlockSpec((D, 3 * D), lambda i: (0, 0)),
        ],
        out_specs=pl.BlockSpec((rb, 3 * D), lambda i: (i, 0)),
        out_shape=jax.ShapeDtypeStruct((rows, 3 * D), jnp.float32),
    )(xin, wcat)

    xw = dense[:N, :D]
    rw = dense[N:, :D]

    srcp = _pad_edges(edge_index[0], 0)
    dstp = _pad_edges(edge_index[1], N)
    etp = _pad_edges(edge_type, 0)

    (accp,) = _edge_call(xw, rw, srcp, dstp, etp)

    normp = jnp.concatenate(
        [norm, jnp.zeros((NP - N, 1), jnp.float32)], axis=0)
    h = pl.pallas_call(
        _combine_body,
        grid=(NP // 128,),
        in_specs=[
            pl.BlockSpec((NC, 128, D), lambda i: (0, i, 0)),
            pl.BlockSpec((128, 3 * D), lambda i: (i, 0)),
            pl.BlockSpec((128, 1), lambda i: (i, 0)),
        ],
        out_specs=pl.BlockSpec((128, D), lambda i: (i, 0)),
        out_shape=jax.ShapeDtypeStruct((NP, D), jnp.float32),
    )(accp, dense, normp)
    return h[:N]

# --- scband reference (transcript-rebuilt; emitter-appended) ---
"""Pipeline reference for scband-union-rgcnlayer-12180527251904 (READ-ONLY COPY).

The authoritative reference and input builder live on the scoring server;
editing this copy changes nothing except your own understanding.
"""

import jax, jax.numpy as jnp
import numpy as np

N = 10000
E = 320000
D = 128
R = 200

def _glorot(key, shape, gain=np.sqrt(2.0)):
    fan_in, fan_out = shape[0], shape[1]
    limit = gain * np.sqrt(6.0 / (fan_in + fan_out))
    return jax.random.uniform(key, shape, dtype=jnp.float32, minval=-limit, maxval=limit)

def setup_inputs(seed: int = 0) -> dict:
    key = jax.random.key(seed)
    ks = jax.random.split(key, 9)
    x = jax.random.normal(ks[0], (N, D), dtype=jnp.float32)
    edge_index = jax.random.randint(ks[1], (2, E), 0, N, dtype=jnp.int32)
    edge_type = jax.random.randint(ks[2], (E,), 0, R, dtype=jnp.int32)
    norm = jax.random.uniform(ks[3], (N, 1), dtype=jnp.float32)
    prev_h = jnp.zeros((N, D), dtype=jnp.float32)
    emb_rel = jax.random.normal(ks[4], (R, D), dtype=jnp.float32)
    weight_neighbor = _glorot(ks[5], (D, D))
    loop_weight = _glorot(ks[6], (D, D))
    evolve_loop_weight = _glorot(ks[7], (D, D))
    return {
        'x': x,
        'edge_index': edge_index,
        'edge_type': edge_type,
        'norm': norm,
        'prev_h': prev_h,
        'emb_rel': emb_rel,
        'weight_neighbor': weight_neighbor,
        'loop_weight': loop_weight,
        'evolve_loop_weight': evolve_loop_weight,
    }

def reference(x, edge_index, edge_type, norm, prev_h, emb_rel,
              weight_neighbor, loop_weight, evolve_loop_weight):
    # UnionRGCNLayer forward with self_loop=True, skip_connect=False,
    # bias=None, activation=None, dropout=0.0
    src = edge_index[0]
    dst = edge_index[1]
    n = x.shape[0]
    # self-loop: nodes with in_degree > 0 use loop_weight, else evolve_loop_weight
    in_deg = jnp.zeros((n,), dtype=jnp.float32).at[dst].add(1.0)
    mask = (in_deg > 0)[:, None]
    loop = jnp.where(mask, x @ loop_weight, x @ evolve_loop_weight)
    # msg_func: (h_src + rel_emb[type]) @ weight_neighbor
    r = jnp.take(emb_rel, edge_type, axis=0)
    h_src = jnp.take(x, src, axis=0)
    msg = (h_src + r) @ weight_neighbor
    # fn.sum aggregation over destination nodes
    agg = jax.ops.segment_sum(msg, dst, num_segments=n)
    # apply_func: h * norm
    h = agg * norm
    # skip_connect False, prev_h ignored; add self-loop message
    h = h + loop
    # activation None, dropout 0.0
    return h

if __name__ == "__main__":
    import jax
    _d = setup_inputs()
    print(jax.jit(kernel)(*tuple(_d.values())))

</pallas_src>

<mosaic_0001>
#map = affine_map<(d0, d1) -> (0, 0)>
#map1 = affine_map<(d0, d1) -> (0)>
#map2 = affine_map<(d0, d1) -> (0, 0, 0)>
module attributes {stable_mosaic.version = 14 : i64} {
  func.func @_edge_body(%arg0: i32, %arg1: i32, %arg2: memref<10000x128xf32, #tpu.memory_space<hbm>>, %arg3: memref<200x128xf32, #tpu.memory_space<hbm>>, %arg4: memref<323584xi32, #tpu.memory_space<hbm>>, %arg5: memref<323584xi32, #tpu.memory_space<hbm>>, %arg6: memref<323584xi32, #tpu.memory_space<hbm>>, %arg7: memref<2x10112x128xf32, #tpu.memory_space<hbm>>, %arg8: memref<64xi32, #tpu.memory_space<vmem>>, %arg9: memref<64xi32, #tpu.memory_space<vmem>>, %arg10: memref<64xi32, #tpu.memory_space<vmem>>, %arg11: memref<64x128xf32, #tpu.memory_space<vmem>>, %arg12: memref<64x128xf32, #tpu.memory_space<vmem>>, %arg13: memref<64xi32, #tpu.memory_space<vmem>>, %arg14: memref<64xi32, #tpu.memory_space<vmem>>, %arg15: memref<64xi32, #tpu.memory_space<vmem>>, %arg16: memref<64x128xf32, #tpu.memory_space<vmem>>, %arg17: memref<64x128xf32, #tpu.memory_space<vmem>>, %arg18: memref<8x128xf32, #tpu.memory_space<vmem>>, %arg19: memref<10112x128xf32, #tpu.memory_space<vmem_shared>>, %arg20: memref<200x128xf32, #tpu.memory_space<vmem_shared>>, %arg21: memref<!tpu.dma_semaphore, #tpu.memory_space<semaphore_mem>>, %arg22: memref<!tpu.dma_semaphore, #tpu.memory_space<semaphore_mem>>, %arg23: memref<!tpu.dma_semaphore, #tpu.memory_space<semaphore_mem>>, %arg24: memref<!tpu.dma_semaphore, #tpu.memory_space<semaphore_mem>>, %arg25: memref<!tpu.dma_semaphore, #tpu.memory_space<semaphore_mem>>, %arg26: memref<!tpu.dma_semaphore, #tpu.memory_space<semaphore_mem>>, %arg27: memref<!tpu.dma_semaphore, #tpu.memory_space<semaphore_mem>>, %arg28: memref<!tpu.dma_semaphore, #tpu.memory_space<semaphore_mem>>, %arg29: memref<!tpu.dma_semaphore, #tpu.memory_space<semaphore_mem>>, %arg30: memref<!tpu.dma_semaphore, #tpu.memory_space<semaphore_mem>>, %arg31: memref<!tpu.dma_semaphore, #tpu.memory_space<semaphore_mem>>, %arg32: memref<!tpu.dma_semaphore, #tpu.memory_space<semaphore_mem>>, %arg33: memref<!tpu.dma_semaphore, #tpu.memory_space<semaphore_mem>>, %arg34: memref<!tpu.dma_semaphore, #tpu.memory_space<semaphore_mem>>) attributes {dimension_semantics = [#tpu.dimension_semantics<core_parallel>, #tpu.dimension_semantics<subcore_parallel>], iteration_bounds = array<i64: 2, 16>, scalar_prefetch = 0 : i64, scratch_operands = 27 : i64, tpu.core_type = #tpu.core_type<sc_vector_subcore>, window_params = [{transform_indices = #map}, {transform_indices = #map}, {transform_indices = #map1}, {transform_indices = #map1}, {transform_indices = #map1}, {transform_indices = #map2}]} {
    %mul3A = arith.constant 16 : i32
    %mul3A_0 = arith.muli %arg0, %mul3A : i32
    %add3A = arith.addi %mul3A_0, %arg1 : i32
    %mul3A_1 = arith.constant 632 : i32
    %mul3A_2 = arith.muli %arg1, %mul3A_1 : i32
    %broadcast_in_dim3A = arith.constant 0.000000e+00 : f32
    %broadcast_in_dim3A_3 = vector.broadcast %broadcast_in_dim3A : f32 to vector<16xf32>
    %swap3A = arith.constant 0 : i32
    %swap3A_4 = arith.index_cast %swap3A : i32 to index
    %swap3A_5 = arith.constant 0 : index
    %swap3A_6 = tpu.vector_load %arg18[%swap3A_4, %swap3A_5] {strides = array<i32>} : memref<8x128xf32, #tpu.memory_space<vmem>>, vector<1x16xf32>,
    %swap3A_7 = vector.shape_cast %swap3A_6 : vector<1x16xf32> to vector<16xf32>
    %swap3A_8 = vector.shape_cast %broadcast_in_dim3A_3 : vector<16xf32> to vector<1x16xf32>
    tpu.vector_store %arg18[%swap3A_4, %swap3A_5], %swap3A_8 {strides = array<i32>} : memref<8x128xf32, #tpu.memory_space<vmem>>, vector<1x16xf32>,
    %broadcast_in_dim3A_9 = arith.constant 0.000000e+00 : f32
    %broadcast_in_dim3A_10 = vector.broadcast %broadcast_in_dim3A_9 : f32 to vector<16xf32>
    %swap3A_11 = arith.constant 0 : i32
    %swap3A_12 = arith.index_cast %swap3A_11 : i32 to index
    %swap3A_13 = arith.constant 16 : index
    %swap3A_14 = tpu.vector_load %arg18[%swap3A_12, %swap3A_13] {strides = array<i32>} : memref<8x128xf32, #tpu.memory_space<vmem>>, vector<1x16xf32>,
    %swap3A_15 = vector.shape_cast %swap3A_14 : vector<1x16xf32> to vector<16xf32>
    %swap3A_16 = vector.shape_cast %broadcast_in_dim3A_10 : vector<16xf32> to vector<1x16xf32>
    tpu.vector_store %arg18[%swap3A_12, %swap3A_13], %swap3A_16 {strides = array<i32>} : memref<8x128xf32, #tpu.memory_space<vmem>>, vector<1x16xf32>,
    %broadcast_in_dim3A_17 = arith.constant 0.000000e+00 : f32
    %broadcast_in_dim3A_18 = vector.broadcast %broadcast_in_dim3A_17 : f32 to vector<16xf32>
    %swap3A_19 = arith.constant 0 : i32
    %swap3A_20 = arith.index_cast %swap3A_19 : i32 to index
    %swap3A_21 = arith.constant 32 : index
    %swap3A_22 = tpu.vector_load %arg18[%swap3A_20, %swap3A_21] {strides = array<i32>} : memref<8x128xf32, #tpu.memory_space<vmem>>, vector<1x16xf32>,
    %swap3A_23 = vector.shape_cast %swap3A_22 : vector<1x16xf32> to vector<16xf32>
    %swap3A_24 = vector.shape_cast %broadcast_in_dim3A_18 : vector<16xf32> to vector<1x16xf32>
    tpu.vector_store %arg18[%swap3A_20, %swap3A_21], %swap3A_24 {strides = array<i32>} : memref<8x128xf32, #tpu.memory_space<vmem>>, vector<1x16xf32>,
    %broadcast_in_dim3A_25 = arith.constant 0.000000e+00 : f32
    %broadcast_in_dim3A_26 = vector.broadcast %broadcast_in_dim3A_25 : f32 to vector<16xf32>
    %swap3A_27 = arith.constant 0 : i32
    %swap3A_28 = arith.index_cast %swap3A_27 : i32 to index
    %swap3A_29 = arith.constant 48 : index
    %swap3A_30 = tpu.vector_load %arg18[%swap3A_28, %swap3A_29] {strides = array<i32>} : memref<8x128xf32, #tpu.memory_space<vmem>>, vector<1x16xf32>,
    %swap3A_31 = vector.shape_cast %swap3A_30 : vector<1x16xf32> to vector<16xf32>
    %swap3A_32 = vector.shape_cast %broadcast_in_dim3A_26 : vector<16xf32> to vector<1x16xf32>
    tpu.vector_store %arg18[%swap3A_28, %swap3A_29], %swap3A_32 {strides = array<i32>} : memref<8x128xf32, #tpu.memory_space<vmem>>, vector<1x16xf32>,
    %broadcast_in_dim3A_33 = arith.constant 0.000000e+00 : f32
    %broadcast_in_dim3A_34 = vector.broadcast %broadcast_in_dim3A_33 : f32 to vector<16xf32>
    %swap3A_35 = arith.constant 0 : i32
    %swap3A_36 = arith.index_cast %swap3A_35 : i32 to index
    %swap3A_37 = arith.constant 64 : index
    %swap3A_38 = tpu.vector_load %arg18[%swap3A_36, %swap3A_37] {strides = array<i32>} : memref<8x128xf32, #tpu.memory_space<vmem>>, vector<1x16xf32>,
    %swap3A_39 = vector.shape_cast %swap3A_38 : vector<1x16xf32> to vector<16xf32>
    %swap3A_40 = vector.shape_cast %broadcast_in_dim3A_34 : vector<16xf32> to vector<1x16xf32>
    tpu.vector_store %arg18[%swap3A_36, %swap3A_37], %swap3A_40 {strides = array<i32>} : memref<8x128xf32, #tpu.memory_space<vmem>>, vector<1x16xf32>,
    %broadcast_in_dim3A_41 = arith.constant 0.000000e+00 : f32
    %broadcast_in_dim3A_42 = vector.broadcast %broadcast_in_dim3A_41 : f32 to vector<16xf32>
    %swap3A_43 = arith.constant 0 : i32
    %swap3A_44 = arith.index_cast %swap3A_43 : i32 to index
    %swap3A_45 = arith.constant 80 : index
    %swap3A_46 = tpu.vector_load %arg18[%swap3A_44, %swap3A_45] {strides = array<i32>} : memref<8x128xf32, #tpu.memory_space<vmem>>, vector<1x16xf32>,
    %swap3A_47 = vector.shape_cast %swap3A_46 : vector<1x16xf32> to vector<16xf32>
    %swap3A_48 = vector.shape_cast %broadcast_in_dim3A_42 : vector<16xf32> to vector<1x16xf32>
    tpu.vector_store %arg18[%swap3A_44, %swap3A_45], %swap3A_48 {strides = array<i32>} : memref<8x128xf32, #tpu.memory_space<vmem>>, vector<1x16xf32>,
    %broadcast_in_dim3A_49 = arith.constant 0.000000e+00 : f32
    %broadcast_in_dim3A_50 = vector.broadcast %broadcast_in_dim3A_49 : f32 to vector<16xf32>
    %swap3A_51 = arith.constant 0 : i32
    %swap3A_52 = arith.index_cast %swap3A_51 : i32 to index
    %swap3A_53 = arith.constant 96 : index
    %swap3A_54 = tpu.vector_load %arg18[%swap3A_52, %swap3A_53] {strides = array<i32>} : memref<8x128xf32, #tpu.memory_space<vmem>>, vector<1x16xf32>,
    %swap3A_55 = vector.shape_cast %swap3A_54 : vector<1x16xf32> to vector<16xf32>
    %swap3A_56 = vector.shape_cast %broadcast_in_dim3A_50 : vector<16xf32> to vector<1x16xf32>
    tpu.vector_store %arg18[%swap3A_52, %swap3A_53], %swap3A_56 {strides = array<i32>} : memref<8x128xf32, #tpu.memory_space<vmem>>, vector<1x16xf32>,
    %broadcast_in_dim3A_57 = arith.constant 0.000000e+00 : f32
    %broadcast_in_dim3A_58 = vector.broadcast %broadcast_in_dim3A_57 : f32 to vector<16xf32>
    %swap3A_59 = arith.constant 0 : i32
    %swap3A_60 = arith.index_cast %swap3A_59 : i32 to index
    %swap3A_61 = arith.constant 112 : index
    %swap3A_62 = tpu.vector_load %arg18[%swap3A_60, %swap3A_61] {strides = array<i32>} : memref<8x128xf32, #tpu.memory_space<vmem>>, vector<1x16xf32>,
    %swap3A_63 = vector.shape_cast %swap3A_62 : vector<1x16xf32> to vector<16xf32>
    %swap3A_64 = vector.shape_cast %broadcast_in_dim3A_58 : vector<16xf32> to vector<1x16xf32>
    tpu.vector_store %arg18[%swap3A_60, %swap3A_61], %swap3A_64 {strides = array<i32>} : memref<8x128xf32, #tpu.memory_space<vmem>>, vector<1x16xf32>,
    %broadcast_in_dim3A_65 = arith.constant 0.000000e+00 : f32
    %broadcast_in_dim3A_66 = vector.broadcast %broadcast_in_dim3A_65 : f32 to vector<16xf32>
    %swap3A_67 = arith.constant 1 : i32
    %swap3A_68 = arith.index_cast %swap3A_67 : i32 to index
    %swap3A_69 = arith.constant 0 : index
    %swap3A_70 = tpu.vector_load %arg18[%swap3A_68, %swap3A_69] {strides = array<i32>} : memref<8x128xf32, #tpu.memory_space<vmem>>, vector<1x16xf32>,
    %swap3A_71 = vector.shape_cast %swap3A_70 : vector<1x16xf32> to vector<16xf32>
    %swap3A_72 = vector.shape_cast %broadcast_in_dim3A_66 : vector<16xf32> to vector<1x16xf32>
    tpu.vector_store %arg18[%swap3A_68, %swap3A_69], %swap3A_72 {strides = array<i32>} : memref<8x128xf32, #tpu.memory_space<vmem>>, vector<1x16xf32>,
    %broadcast_in_dim3A_73 = arith.constant 0.000000e+00 : f32
    %broadcast_in_dim3A_74 = vector.broadcast %broadcast_in_dim3A_73 : f32 to vector<16xf32>
    %swap3A_75 = arith.constant 1 : i32
    %swap3A_76 = arith.index_cast %swap3A_75 : i32 to index
    %swap3A_77 = arith.constant 16 : index
    %swap3A_78 = tpu.vector_load %arg18[%swap3A_76, %swap3A_77] {strides = array<i32>} : memref<8x128xf32, #tpu.memory_space<vmem>>, vector<1x16xf32>,
    %swap3A_79 = vector.shape_cast %swap3A_78 : vector<1x16xf32> to vector<16xf32>
    %swap3A_80 = vector.shape_cast %broadcast_in_dim3A_74 : vector<16xf32> to vector<1x16xf32>
    tpu.vector_store %arg18[%swap3A_76, %swap3A_77], %swap3A_80 {strides = array<i32>} : memref<8x128xf32, #tpu.memory_space<vmem>>, vector<1x16xf32>,
    %broadcast_in_dim3A_81 = arith.constant 0.000000e+00 : f32
    %broadcast_in_dim3A_82 = vector.broadcast %broadcast_in_dim3A_81 : f32 to vector<16xf32>
    %swap3A_83 = arith.constant 1 : i32
    %swap3A_84 = arith.index_cast %swap3A_83 : i32 to index
    %swap3A_85 = arith.constant 32 : index
    %swap3A_86 = tpu.vector_load %arg18[%swap3A_84, %swap3A_85] {strides = array<i32>} : memref<8x128xf32, #tpu.memory_space<vmem>>, vector<1x16xf32>,
    %swap3A_87 = vector.shape_cast %swap3A_86 : vector<1x16xf32> to vector<16xf32>
    %swap3A_88 = vector.shape_cast %broadcast_in_dim3A_82 : vector<16xf32> to vector<1x16xf32>
    tpu.vector_store %arg18[%swap3A_84, %swap3A_85], %swap3A_88 {strides = array<i32>} : memref<8x128xf32, #tpu.memory_space<vmem>>, vector<1x16xf32>,
    %broadcast_in_dim3A_89 = arith.constant 0.000000e+00 : f32
    %broadcast_in_dim3A_90 = vector.broadcast %broadcast_in_dim3A_89 : f32 to vector<16xf32>
    %swap3A_91 = arith.constant 1 : i32
    %swap3A_92 = arith.index_cast %swap3A_91 : i32 to index
    %swap3A_93 = arith.constant 48 : index
    %swap3A_94 = tpu.vector_load %arg18[%swap3A_92, %swap3A_93] {strides = array<i32>} : memref<8x128xf32, #tpu.memory_space<vmem>>, vector<1x16xf32>,
    %swap3A_95 = vector.shape_cast %swap3A_94 : vector<1x16xf32> to vector<16xf32>
    %swap3A_96 = vector.shape_cast %broadcast_in_dim3A_90 : vector<16xf32> to vector<1x16xf32>
    tpu.vector_store %arg18[%swap3A_92, %swap3A_93], %swap3A_96 {strides = array<i32>} : memref<8x128xf32, #tpu.memory_space<vmem>>, vector<1x16xf32>,
    %broadcast_in_dim3A_97 = arith.constant 0.000000e+00 : f32
    %broadcast_in_dim3A_98 = vector.broadcast %broadcast_in_dim3A_97 : f32 to vector<16xf32>
    %swap3A_99 = arith.constant 1 : i32
    %swap3A_100 = arith.index_cast %swap3A_99 : i32 to index
    %swap3A_101 = arith.constant 64 : index
    %swap3A_102 = tpu.vector_load %arg18[%swap3A_100, %swap3A_101] {strides = array<i32>} : memref<8x128xf32, #tpu.memory_space<vmem>>, vector<1x16xf32>,
    %swap3A_103 = vector.shape_cast %swap3A_102 : vector<1x16xf32> to vector<16xf32>
    %swap3A_104 = vector.shape_cast %broadcast_in_dim3A_98 : vector<16xf32> to vector<1x16xf32>
    tpu.vector_store %arg18[%swap3A_100, %swap3A_101], %swap3A_104 {strides = array<i32>} : memref<8x128xf32, #tpu.memory_space<vmem>>, vector<1x16xf32>,
    %broadcast_in_dim3A_105 = arith.constant 0.000000e+00 : f32
    %broadcast_in_dim3A_106 = vector.broadcast %broadcast_in_dim3A_105 : f32 to vector<16xf32>
    %swap3A_107 = arith.constant 1 : i32
    %swap3A_108 = arith.index_cast %swap3A_107 : i32 to index
    %swap3A_109 = arith.constant 80 : index
    %swap3A_110 = tpu.vector_load %arg18[%swap3A_108, %swap3A_109] {strides = array<i32>} : memref<8x128xf32, #tpu.memory_space<vmem>>, vector<1x16xf32>,
    %swap3A_111 = vector.shape_cast %swap3A_110 : vector<1x16xf32> to vector<16xf32>
    %swap3A_112 = vector.shape_cast %broadcast_in_dim3A_106 : vector<16xf32> to vector<1x16xf32>
    tpu.vector_store %arg18[%swap3A_108, %swap3A_109], %swap3A_112 {strides = array<i32>} : memref<8x128xf32, #tpu.memory_space<vmem>>, vector<1x16xf32>,
    %broadcast_in_dim3A_113 = arith.constant 0.000000e+00 : f32
    %broadcast_in_dim3A_114 = vector.broadcast %broadcast_in_dim3A_113 : f32 to vector<16xf32>
    %swap3A_115 = arith.constant 1 : i32
    %swap3A_116 = arith.index_cast %swap3A_115 : i32 to index
    %swap3A_117 = arith.constant 96 : index
    %swap3A_118 = tpu.vector_load %arg18[%swap3A_116, %swap3A_117] {strides = array<i32>} : memref<8x128xf32, #tpu.memory_space<vmem>>, vector<1x16xf32>,
    %swap3A_119 = vector.shape_cast %swap3A_118 : vector<1x16xf32> to vector<16xf32>
    %swap3A_120 = vector.shape_cast %broadcast_in_dim3A_114 : vector<16xf32> to vector<1x16xf32>
    tpu.vector_store %arg18[%swap3A_116, %swap3A_117], %swap3A_120 {strides = array<i32>} : memref<8x128xf32, #tpu.memory_space<vmem>>, vector<1x16xf32>,
    %broadcast_in_dim3A_121 = arith.constant 0.000000e+00 : f32
    %broadcast_in_dim3A_122 = vector.broadcast %broadcast_in_dim3A_121 : f32 to vector<16xf32>
    %swap3A_123 = arith.constant 1 : i32
    %swap3A_124 = arith.index_cast %swap3A_123 : i32 to index
    %swap3A_125 = arith.constant 112 : index
    %swap3A_126 = tpu.vector_load %arg18[%swap3A_124, %swap3A_125] {strides = array<i32>} : memref<8x128xf32, #tpu.memory_space<vmem>>, vector<1x16xf32>,
    %swap3A_127 = vector.shape_cast %swap3A_126 : vector<1x16xf32> to vector<16xf32>
    %swap3A_128 = vector.shape_cast %broadcast_in_dim3A_122 : vector<16xf32> to vector<1x16xf32>
    tpu.vector_store %arg18[%swap3A_124, %swap3A_125], %swap3A_128 {strides = array<i32>} : memref<8x128xf32, #tpu.memory_space<vmem>>, vector<1x16xf32>,
    %broadcast_in_dim3A_129 = arith.constant 0.000000e+00 : f32
    %broadcast_in_dim3A_130 = vector.broadcast %broadcast_in_dim3A_129 : f32 to vector<16xf32>
    %swap3A_131 = arith.constant 2 : i32
    %swap3A_132 = arith.index_cast %swap3A_131 : i32 to index
    %swap3A_133 = arith.constant 0 : index
    %swap3A_134 = tpu.vector_load %arg18[%swap3A_132, %swap3A_133] {strides = array<i32>} : memref<8x128xf32, #tpu.memory_space<vmem>>, vector<1x16xf32>,
    %swap3A_135 = vector.shape_cast %swap3A_134 : vector<1x16xf32> to vector<16xf32>
    %swap3A_136 = vector.shape_cast %broadcast_in_dim3A_130 : vector<16xf32> to vector<1x16xf32>
    tpu.vector_store %arg18[%swap3A_132, %swap3A_133], %swap3A_136 {strides = array<i32>} : memref<8x128xf32, #tpu.memory_space<vmem>>, vector<1x16xf32>,
    %broadcast_in_dim3A_137 = arith.constant 0.000000e+00 : f32
    %broadcast_in_dim3A_138 = vector.broadcast %broadcast_in_dim3A_137 : f32 to vector<16xf32>
    %swap3A_139 = arith.constant 2 : i32
    %swap3A_140 = arith.index_cast %swap3A_139 : i32 to index
    %swap3A_141 = arith.constant 16 : index
    %swap3A_142 = tpu.vector_load %arg18[%swap3A_140, %swap3A_141] {strides = array<i32>} : memref<8x128xf32, #tpu.memory_space<vmem>>, vector<1x16xf32>,
    %swap3A_143 = vector.shape_cast %swap3A_142 : vector<1x16xf32> to vector<16xf32>
    %swap3A_144 = vector.shape_cast %broadcast_in_dim3A_138 : vector<16xf32> to vector<1x16xf32>
    tpu.vector_store %arg18[%swap3A_140, %swap3A_141], %swap3A_144 {strides = array<i32>} : memref<8x128xf32, #tpu.memory_space<vmem>>, vector<1x16xf32>,
    %broadcast_in_dim3A_145 = arith.constant 0.000000e+00 : f32
    %broadcast_in_dim3A_146 = vector.broadcast %broadcast_in_dim3A_145 : f32 to vector<16xf32>
    %swap3A_147 = arith.constant 2 : i32
    %swap3A_148 = arith.index_cast %swap3A_147 : i32 to index
    %swap3A_149 = arith.constant 32 : index
    %swap3A_150 = tpu.vector_load %arg18[%swap3A_148, %swap3A_149] {strides = array<i32>} : memref<8x128xf32, #tpu.memory_space<vmem>>, vector<1x16xf32>,
    %swap3A_151 = vector.shape_cast %swap3A_150 : vector<1x16xf32> to vector<16xf32>
    %swap3A_152 = vector.shape_cast %broadcast_in_dim3A_146 : vector<16xf32> to vector<1x16xf32>
    tpu.vector_store %arg18[%swap3A_148, %swap3A_149], %swap3A_152 {strides = array<i32>} : memref<8x128xf32, #tpu.memory_space<vmem>>, vector<1x16xf32>,
    %broadcast_in_dim3A_153 = arith.constant 0.000000e+00 : f32
    %broadcast_in_dim3A_154 = vector.broadcast %broadcast_in_dim3A_153 : f32 to vector<16xf32>
    %swap3A_155 = arith.constant 2 : i32
    %swap3A_156 = arith.index_cast %swap3A_155 : i32 to index
    %swap3A_157 = arith.constant 48 : index
    %swap3A_158 = tpu.vector_load %arg18[%swap3A_156, %swap3A_157] {strides = array<i32>} : memref<8x128xf32, #tpu.memory_space<vmem>>, vector<1x16xf32>,
    %swap3A_159 = vector.shape_cast %swap3A_158 : vector<1x16xf32> to vector<16xf32>
    %swap3A_160 = vector.shape_cast %broadcast_in_dim3A_154 : vector<16xf32> to vector<1x16xf32>
    tpu.vector_store %arg18[%swap3A_156, %swap3A_157], %swap3A_160 {strides = array<i32>} : memref<8x128xf32, #tpu.memory_space<vmem>>, vector<1x16xf32>,
    %broadcast_in_dim3A_161 = arith.constant 0.000000e+00 : f32
    %broadcast_in_dim3A_162 = vector.broadcast %broadcast_in_dim3A_161 : f32 to vector<16xf32>
    %swap3A_163 = arith.constant 2 : i32
    %swap3A_164 = arith.index_cast %swap3A_163 : i32 to index
    %swap3A_165 = arith.constant 64 : index
    %swap3A_166 = tpu.vector_load %arg18[%swap3A_164, %swap3A_165] {strides = array<i32>} : memref<8x128xf32, #tpu.memory_space<vmem>>, vector<1x16xf32>,
    %swap3A_167 = vector.shape_cast %swap3A_166 : vector<1x16xf32> to vector<16xf32>
    %swap3A_168 = vector.shape_cast %broadcast_in_dim3A_162 : vector<16xf32> to vector<1x16xf32>
    tpu.vector_store %arg18[%swap3A_164, %swap3A_165], %swap3A_168 {strides = array<i32>} : memref<8x128xf32, #tpu.memory_space<vmem>>, vector<1x16xf32>,
    %broadcast_in_dim3A_169 = arith.constant 0.000000e+00 : f32
    %broadcast_in_dim3A_170 = vector.broadcast %broadcast_in_dim3A_169 : f32 to vector<16xf32>
    %swap3A_171 = arith.constant 2 : i32
    %swap3A_172 = arith.index_cast %swap3A_171 : i32 to index
    %swap3A_173 = arith.constant 80 : index
    %swap3A_174 = tpu.vector_load %arg18[%swap3A_172, %swap3A_173] {strides = array<i32>} : memref<8x128xf32, #tpu.memory_space<vmem>>, vector<1x16xf32>,
    %swap3A_175 = vector.shape_cast %swap3A_174 : vector<1x16xf32> to vector<16xf32>
    %swap3A_176 = vector.shape_cast %broadcast_in_dim3A_170 : vector<16xf32> to vector<1x16xf32>
    tpu.vector_store %arg18[%swap3A_172, %swap3A_173], %swap3A_176 {strides = array<i32>} : memref<8x128xf32, #tpu.memory_space<vmem>>, vector<1x16xf32>,
    %broadcast_in_dim3A_177 = arith.constant 0.000000e+00 : f32
    %broadcast_in_dim3A_178 = vector.broadcast %broadcast_in_dim3A_177 : f32 to vector<16xf32>
    %swap3A_179 = arith.constant 2 : i32
    %swap3A_180 = arith.index_cast %swap3A_179 : i32 to index
    %swap3A_181 = arith.constant 96 : index
    %swap3A_182 = tpu.vector_load %arg18[%swap3A_180, %swap3A_181] {strides = array<i32>} : memref<8x128xf32, #tpu.memory_space<vmem>>, vector<1x16xf32>,
    %swap3A_183 = vector.shape_cast %swap3A_182 : vector<1x16xf32> to vector<16xf32>
    %swap3A_184 = vector.shape_cast %broadcast_in_dim3A_178 : vector<16xf32> to vector<1x16xf32>
    tpu.vector_store %arg18[%swap3A_180, %swap3A_181], %swap3A_184 {strides = array<i32>} : memref<8x128xf32, #tpu.memory_space<vmem>>, vector<1x16xf32>,
    %broadcast_in_dim3A_185 = arith.constant 0.000000e+00 : f32
    %broadcast_in_dim3A_186 = vector.broadcast %broadcast_in_dim3A_185 : f32 to vector<16xf32>
    %swap3A_187 = arith.constant 2 : i32
    %swap3A_188 = arith.index_cast %swap3A_187 : i32 to index
    %swap3A_189 = arith.constant 112 : index
    %swap3A_190 = tpu.vector_load %arg18[%swap3A_188, %swap3A_189] {strides = array<i32>} : memref<8x128xf32, #tpu.memory_space<vmem>>, vector<1x16xf32>,
    %swap3A_191 = vector.shape_cast %swap3A_190 : vector<1x16xf32> to vector<16xf32>
    %swap3A_192 = vector.shape_cast %broadcast_in_dim3A_186 : vector<16xf32> to vector<1x16xf32>
    tpu.vector_store %arg18[%swap3A_188, %swap3A_189], %swap3A_192 {strides = array<i32>} : memref<8x128xf32, #tpu.memory_space<vmem>>, vector<1x16xf32>,
    %broadcast_in_dim3A_193 = arith.constant 0.000000e+00 : f32
    %broadcast_in_dim3A_194 = vector.broadcast %broadcast_in_dim3A_193 : f32 to vector<16xf32>
    %swap3A_195 = arith.constant 3 : i32
    %swap3A_196 = arith.index_cast %swap3A_195 : i32 to index
    %swap3A_197 = arith.constant 0 : index
    %swap3A_198 = tpu.vector_load %arg18[%swap3A_196, %swap3A_197] {strides = array<i32>} : memref<8x128xf32, #tpu.memory_space<vmem>>, vector<1x16xf32>,
    %swap3A_199 = vector.shape_cast %swap3A_198 : vector<1x16xf32> to vector<16xf32>
    %swap3A_200 = vector.shape_cast %broadcast_in_dim3A_194 : vector<16xf32> to vector<1x16xf32>
    tpu.vector_store %arg18[%swap3A_196, %swap3A_197], %swap3A_200 {strides = array<i32>} : memref<8x128xf32, #tpu.memory_space<vmem>>, vector<1x16xf32>,
    %broadcast_in_dim3A_201 = arith.constant 0.000000e+00 : f32
    %broadcast_in_dim3A_202 = vector.broadcast %broadcast_in_dim3A_201 : f32 to vector<16xf32>
    %swap3A_203 = arith.constant 3 : i32
    %swap3A_204 = arith.index_cast %swap3A_203 : i32 to index
    %swap3A_205 = arith.constant 16 : index
    %swap3A_206 = tpu.vector_load %arg18[%swap3A_204, %swap3A_205] {strides = array<i32>} : memref<8x128xf32, #tpu.memory_space<vmem>>, vector<1x16xf32>,
    %swap3A_207 = vector.shape_cast %swap3A_206 : vector<1x16xf32> to vector<16xf32>
    %swap3A_208 = vector.shape_cast %broadcast_in_dim3A_202 : vector<16xf32> to vector<1x16xf32>
    tpu.vector_store %arg18[%swap3A_204, %swap3A_205], %swap3A_208 {strides = array<i32>} : memref<8x128xf32, #tpu.memory_space<vmem>>, vector<1x16xf32>,
    %broadcast_in_dim3A_209 = arith.constant 0.000000e+00 : f32
    %broadcast_in_dim3A_210 = vector.broadcast %broadcast_in_dim3A_209 : f32 to vector<16xf32>
    %swap3A_211 = arith.constant 3 : i32
    %swap3A_212 = arith.index_cast %swap3A_211 : i32 to index
    %swap3A_213 = arith.constant 32 : index
    %swap3A_214 = tpu.vector_load %arg18[%swap3A_212, %swap3A_213] {strides = array<i32>} : memref<8x128xf32, #tpu.memory_space<vmem>>, vector<1x16xf32>,
    %swap3A_215 = vector.shape_cast %swap3A_214 : vector<1x16xf32> to vector<16xf32>
    %swap3A_216 = vector.shape_cast %broadcast_in_dim3A_210 : vector<16xf32> to vector<1x16xf32>
    tpu.vector_store %arg18[%swap3A_212, %swap3A_213], %swap3A_216 {strides = array<i32>} : memref<8x128xf32, #tpu.memory_space<vmem>>, vector<1x16xf32>,
    %broadcast_in_dim3A_217 = arith.constant 0.000000e+00 : f32
    %broadcast_in_dim3A_218 = vector.broadcast %broadcast_in_dim3A_217 : f32 to vector<16xf32>
    %swap3A_219 = arith.constant 3 : i32
    %swap3A_220 = arith.index_cast %swap3A_219 : i32 to index
    %swap3A_221 = arith.constant 48 : index
    %swap3A_222 = tpu.vector_load %arg18[%swap3A_220, %swap3A_221] {strides = array<i32>} : memref<8x128xf32, #tpu.memory_space<vmem>>, vector<1x16xf32>,
    %swap3A_223 = vector.shape_cast %swap3A_222 : vector<1x16xf32> to vector<16xf32>
    %swap3A_224 = vector.shape_cast %broadcast_in_dim3A_218 : vector<16xf32> to vector<1x16xf32>
    tpu.vector_store %arg18[%swap3A_220, %swap3A_221], %swap3A_224 {strides = array<i32>} : memref<8x128xf32, #tpu.memory_space<vmem>>, vector<1x16xf32>,
    %broadcast_in_dim3A_225 = arith.constant 0.000000e+00 : f32
    %broadcast_in_dim3A_226 = vector.broadcast %broadcast_in_dim3A_225 : f32 to vector<16xf32>
    %swap3A_227 = arith.constant 3 : i32
    %swap3A_228 = arith.index_cast %swap3A_227 : i32 to index
    %swap3A_229 = arith.constant 64 : index
    %swap3A_230 = tpu.vector_load %arg18[%swap3A_228, %swap3A_229] {strides = array<i32>} : memref<8x128xf32, #tpu.memory_space<vmem>>, vector<1x16xf32>,
    %swap3A_231 = vector.shape_cast %swap3A_230 : vector<1x16xf32> to vector<16xf32>
    %swap3A_232 = vector.shape_cast %broadcast_in_dim3A_226 : vector<16xf32> to vector<1x16xf32>
    tpu.vector_store %arg18[%swap3A_228, %swap3A_229], %swap3A_232 {strides = array<i32>} : memref<8x128xf32, #tpu.memory_space<vmem>>, vector<1x16xf32>,
    %broadcast_in_dim3A_233 = arith.constant 0.000000e+00 : f32
    %broadcast_in_dim3A_234 = vector.broadcast %broadcast_in_dim3A_233 : f32 to vector<16xf32>
    %swap3A_235 = arith.constant 3 : i32
    %swap3A_236 = arith.index_cast %swap3A_235 : i32 to index
    %swap3A_237 = arith.constant 80 : index
    %swap3A_238 = tpu.vector_load %arg18[%swap3A_236, %swap3A_237] {strides = array<i32>} : memref<8x128xf32, #tpu.memory_space<vmem>>, vector<1x16xf32>,
    %swap3A_239 = vector.shape_cast %swap3A_238 : vector<1x16xf32> to vector<16xf32>
    %swap3A_240 = vector.shape_cast %broadcast_in_dim3A_234 : vector<16xf32> to vector<1x16xf32>
    tpu.vector_store %arg18[%swap3A_236, %swap3A_237], %swap3A_240 {strides = array<i32>} : memref<8x128xf32, #tpu.memory_space<vmem>>, vector<1x16xf32>,
    %broadcast_in_dim3A_241 = arith.constant 0.000000e+00 : f32
    %broadcast_in_dim3A_242 = vector.broadcast %broadcast_in_dim3A_241 : f32 to vector<16xf32>
    %swap3A_243 = arith.constant 3 : i32
    %swap3A_244 = arith.index_cast %swap3A_243 : i32 to index
    %swap3A_245 = arith.constant 96 : index
    %swap3A_246 = tpu.vector_load %arg18[%swap3A_244, %swap3A_245] {strides = array<i32>} : memref<8x128xf32, #tpu.memory_space<vmem>>, vector<1x16xf32>,
    %swap3A_247 = vector.shape_cast %swap3A_246 : vector<1x16xf32> to vector<16xf32>
    %swap3A_248 = vector.shape_cast %broadcast_in_dim3A_242 : vector<16xf32> to vector<1x16xf32>
    tpu.vector_store %arg18[%swap3A_244, %swap3A_245], %swap3A_248 {strides = array<i32>} : memref<8x128xf32, #tpu.memory_space<vmem>>, vector<1x16xf32>,
    %broadcast_in_dim3A_249 = arith.constant 0.000000e+00 : f32
    %broadcast_in_dim3A_250 = vector.broadcast %broadcast_in_dim3A_249 : f32 to vector<16xf32>
    %swap3A_251 = arith.constant 3 : i32
    %swap3A_252 = arith.index_cast %swap3A_251 : i32 to index
    %swap3A_253 = arith.constant 112 : index
    %swap3A_254 = tpu.vector_load %arg18[%swap3A_252, %swap3A_253] {strides = array<i32>} : memref<8x128xf32, #tpu.memory_space<vmem>>, vector<1x16xf32>,
    %swap3A_255 = vector.shape_cast %swap3A_254 : vector<1x16xf32> to vector<16xf32>
    %swap3A_256 = vector.shape_cast %broadcast_in_dim3A_250 : vector<16xf32> to vector<1x16xf32>
    tpu.vector_store %arg18[%swap3A_252, %swap3A_253], %swap3A_256 {strides = array<i32>} : memref<8x128xf32, #tpu.memory_space<vmem>>, vector<1x16xf32>,
    %broadcast_in_dim3A_257 = arith.constant 0.000000e+00 : f32
    %broadcast_in_dim3A_258 = vector.broadcast %broadcast_in_dim3A_257 : f32 to vector<16xf32>
    %swap3A_259 = arith.constant 4 : i32
    %swap3A_260 = arith.index_cast %swap3A_259 : i32 to index
    %swap3A_261 = arith.constant 0 : index
    %swap3A_262 = tpu.vector_load %arg18[%swap3A_260, %swap3A_261] {strides = array<i32>} : memref<8x128xf32, #tpu.memory_space<vmem>>, vector<1x16xf32>,
    %swap3A_263 = vector.shape_cast %swap3A_262 : vector<1x16xf32> to vector<16xf32>
    %swap3A_264 = vector.shape_cast %broadcast_in_dim3A_258 : vector<16xf32> to vector<1x16xf32>
    tpu.vector_store %arg18[%swap3A_260, %swap3A_261], %swap3A_264 {strides = array<i32>} : memref<8x128xf32, #tpu.memory_space<vmem>>, vector<1x16xf32>,
    %broadcast_in_dim3A_265 = arith.constant 0.000000e+00 : f32
    %broadcast_in_dim3A_266 = vector.broadcast %broadcast_in_dim3A_265 : f32 to vector<16xf32>
    %swap3A_267 = arith.constant 4 : i32
    %swap3A_268 = arith.index_cast %swap3A_267 : i32 to index
    %swap3A_269 = arith.constant 16 : index
    %swap3A_270 = tpu.vector_load %arg18[%swap3A_268, %swap3A_269] {strides = array<i32>} : memref<8x128xf32, #tpu.memory_space<vmem>>, vector<1x16xf32>,
    %swap3A_271 = vector.shape_cast %swap3A_270 : vector<1x16xf32> to vector<16xf32>
    %swap3A_272 = vector.shape_cast %broadcast_in_dim3A_266 : vector<16xf32> to vector<1x16xf32>
    tpu.vector_store %arg18[%swap3A_268, %swap3A_269], %swap3A_272 {strides = array<i32>} : memref<8x128xf32, #tpu.memory_space<vmem>>, vector<1x16xf32>,
    %broadcast_in_dim3A_273 = arith.constant 0.000000e+00 : f32
    %broadcast_in_dim3A_274 = vector.broadcast %broadcast_in_dim3A_273 : f32 to vector<16xf32>
    %swap3A_275 = arith.constant 4 : i32
    %swap3A_276 = arith.index_cast %swap3A_275 : i32 to index
    %swap3A_277 = arith.constant 32 : index
    %swap3A_278 = tpu.vector_load %arg18[%swap3A_276, %swap3A_277] {strides = array<i32>} : memref<8x128xf32, #tpu.memory_space<vmem>>, vector<1x16xf32>,
    %swap3A_279 = vector.shape_cast %swap3A_278 : vector<1x16xf32> to vector<16xf32>
    %swap3A_280 = vector.shape_cast %broadcast_in_dim3A_274 : vector<16xf32> to vector<1x16xf32>
    tpu.vector_store %arg18[%swap3A_276, %swap3A_277], %swap3A_280 {strides = array<i32>} : memref<8x128xf32, #tpu.memory_space<vmem>>, vector<1x16xf32>,
    %broadcast_in_dim3A_281 = arith.constant 0.000000e+00 : f32
    %broadcast_in_dim3A_282 = vector.broadcast %broadcast_in_dim3A_281 : f32 to vector<16xf32>
    %swap3A_283 = arith.constant 4 : i32
    %swap3A_284 = arith.index_cast %swap3A_283 : i32 to index
    %swap3A_285 = arith.constant 48 : index
    %swap3A_286 = tpu.vector_load %arg18[%swap3A_284, %swap3A_285] {strides = array<i32>} : memref<8x128xf32, #tpu.memory_space<vmem>>, vector<1x16xf32>,
    %swap3A_287 = vector.shape_cast %swap3A_286 : vector<1x16xf32> to vector<16xf32>
    %swap3A_288 = vector.shape_cast %broadcast_in_dim3A_282 : vector<16xf32> to vector<1x16xf32>
    tpu.vector_store %arg18[%swap3A_284, %swap3A_285], %swap3A_288 {strides = array<i32>} : memref<8x128xf32, #tpu.memory_space<vmem>>, vector<1x16xf32>,
    %broadcast_in_dim3A_289 = arith.constant 0.000000e+00 : f32
    %broadcast_in_dim3A_290 = vector.broadcast %broadcast_in_dim3A_289 : f32 to vector<16xf32>
    %swap3A_291 = arith.constant 4 : i32
    %swap3A_292 = arith.index_cast %swap3A_291 : i32 to index
    %swap3A_293 = arith.constant 64 : index
    %swap3A_294 = tpu.vector_load %arg18[%swap3A_292, %swap3A_293] {strides = array<i32>} : memref<8x128xf32, #tpu.memory_space<vmem>>, vector<1x16xf32>,
    %swap3A_295 = vector.shape_cast %swap3A_294 : vector<1x16xf32> to vector<16xf32>
    %swap3A_296 = vector.shape_cast %broadcast_in_dim3A_290 : vector<16xf32> to vector<1x16xf32>
    tpu.vector_store %arg18[%swap3A_292, %swap3A_293], %swap3A_296 {strides = array<i32>} : memref<8x128xf32, #tpu.memory_space<vmem>>, vector<1x16xf32>,
    %broadcast_in_dim3A_297 = arith.constant 0.000000e+00 : f32
    %broadcast_in_dim3A_298 = vector.broadcast %broadcast_in_dim3A_297 : f32 to vector<16xf32>
    %swap3A_299 = arith.constant 4 : i32
    %swap3A_300 = arith.index_cast %swap3A_299 : i32 to index
    %swap3A_301 = arith.constant 80 : index
    %swap3A_302 = tpu.vector_load %arg18[%swap3A_300, %swap3A_301] {strides = array<i32>} : memref<8x128xf32, #tpu.memory_space<vmem>>, vector<1x16xf32>,
    %swap3A_303 = vector.shape_cast %swap3A_302 : vector<1x16xf32> to vector<16xf32>
    %swap3A_304 = vector.shape_cast %broadcast_in_dim3A_298 : vector<16xf32> to vector<1x16xf32>
    tpu.vector_store %arg18[%swap3A_300, %swap3A_301], %swap3A_304 {strides = array<i32>} : memref<8x128xf32, #tpu.memory_space<vmem>>, vector<1x16xf32>,
    %broadcast_in_dim3A_305 = arith.constant 0.000000e+00 : f32
    %broadcast_in_dim3A_306 = vector.broadcast %broadcast_in_dim3A_305 : f32 to vector<16xf32>
    %swap3A_307 = arith.constant 4 : i32
    %swap3A_308 = arith.index_cast %swap3A_307 : i32 to index
    %swap3A_309 = arith.constant 96 : index
    %swap3A_310 = tpu.vector_load %arg18[%swap3A_308, %swap3A_309] {strides = array<i32>} : memref<8x128xf32, #tpu.memory_space<vmem>>, vector<1x16xf32>,
    %swap3A_311 = vector.shape_cast %swap3A_310 : vector<1x16xf32> to vector<16xf32>
    %swap3A_312 = vector.shape_cast %broadcast_in_dim3A_306 : vector<16xf32> to vector<1x16xf32>
    tpu.vector_store %arg18[%swap3A_308, %swap3A_309], %swap3A_312 {strides = array<i32>} : memref<8x128xf32, #tpu.memory_space<vmem>>, vector<1x16xf32>,
    %broadcast_in_dim3A_313 = arith.constant 0.000000e+00 : f32
    %broadcast_in_dim3A_314 = vector.broadcast %broadcast_in_dim3A_313 : f32 to vector<16xf32>
    %swap3A_315 = arith.constant 4 : i32
    %swap3A_316 = arith.index_cast %swap3A_315 : i32 to index
    %swap3A_317 = arith.constant 112 : index
    %swap3A_318 = tpu.vector_load %arg18[%swap3A_316, %swap3A_317] {strides = array<i32>} : memref<8x128xf32, #tpu.memory_space<vmem>>, vector<1x16xf32>,
    %swap3A_319 = vector.shape_cast %swap3A_318 : vector<1x16xf32> to vector<16xf32>
    %swap3A_320 = vector.shape_cast %broadcast_in_dim3A_314 : vector<16xf32> to vector<1x16xf32>
    tpu.vector_store %arg18[%swap3A_316, %swap3A_317], %swap3A_320 {strides = array<i32>} : memref<8x128xf32, #tpu.memory_space<vmem>>, vector<1x16xf32>,
    %broadcast_in_dim3A_321 = arith.constant 0.000000e+00 : f32
    %broadcast_in_dim3A_322 = vector.broadcast %broadcast_in_dim3A_321 : f32 to vector<16xf32>
    %swap3A_323 = arith.constant 5 : i32
    %swap3A_324 = arith.index_cast %swap3A_323 : i32 to index
    %swap3A_325 = arith.constant 0 : index
    %swap3A_326 = tpu.vector_load %arg18[%swap3A_324, %swap3A_325] {strides = array<i32>} : memref<8x128xf32, #tpu.memory_space<vmem>>, vector<1x16xf32>,
    %swap3A_327 = vector.shape_cast %swap3A_326 : vector<1x16xf32> to vector<16xf32>
    %swap3A_328 = vector.shape_cast %broadcast_in_dim3A_322 : vector<16xf32> to vector<1x16xf32>
    tpu.vector_store %arg18[%swap3A_324, %swap3A_325], %swap3A_328 {strides = array<i32>} : memref<8x128xf32, #tpu.memory_space<vmem>>, vector<1x16xf32>,
    %broadcast_in_dim3A_329 = arith.constant 0.000000e+00 : f32
    %broadcast_in_dim3A_330 = vector.broadcast %broadcast_in_dim3A_329 : f32 to vector<16xf32>
    %swap3A_331 = arith.constant 5 : i32
    %swap3A_332 = arith.index_cast %swap3A_331 : i32 to index
    %swap3A_333 = arith.constant 16 : index
    %swap3A_334 = tpu.vector_load %arg18[%swap3A_332, %swap3A_333] {strides = array<i32>} : memref<8x128xf32, #tpu.memory_space<vmem>>, vector<1x16xf32>,
    %swap3A_335 = vector.shape_cast %swap3A_334 : vector<1x16xf32> to vector<16xf32>
    %swap3A_336 = vector.shape_cast %broadcast_in_dim3A_330 : vector<16xf32> to vector<1x16xf32>
    tpu.vector_store %arg18[%swap3A_332, %swap3A_333], %swap3A_336 {strides = array<i32>} : memref<8x128xf32, #tpu.memory_space<vmem>>, vector<1x16xf32>,
    %broadcast_in_dim3A_337 = arith.constant 0.000000e+00 : f32
    %broadcast_in_dim3A_338 = vector.broadcast %broadcast_in_dim3A_337 : f32 to vector<16xf32>
    %swap3A_339 = arith.constant 5 : i32
    %swap3A_340 = arith.index_cast %swap3A_339 : i32 to index
    %swap3A_341 = arith.constant 32 : index
    %swap3A_342 = tpu.vector_load %arg18[%swap3A_340, %swap3A_341] {strides = array<i32>} : memref<8x128xf32, #tpu.memory_space<vmem>>, vector<1x16xf32>,
    %swap3A_343 = vector.shape_cast %swap3A_342 : vector<1x16xf32> to vector<16xf32>
    %swap3A_344 = vector.shape_cast %broadcast_in_dim3A_338 : vector<16xf32> to vector<1x16xf32>
    tpu.vector_store %arg18[%swap3A_340, %swap3A_341], %swap3A_344 {strides = array<i32>} : memref<8x128xf32, #tpu.memory_space<vmem>>, vector<1x16xf32>,
    %broadcast_in_dim3A_345 = arith.constant 0.000000e+00 : f32
    %broadcast_in_dim3A_346 = vector.broadcast %broadcast_in_dim3A_345 : f32 to vector<16xf32>
    %swap3A_347 = arith.constant 5 : i32
    %swap3A_348 = arith.index_cast %swap3A_347 : i32 to index
    %swap3A_349 = arith.constant 48 : index
    %swap3A_350 = tpu.vector_load %arg18[%swap3A_348, %swap3A_349] {strides = array<i32>} : memref<8x128xf32, #tpu.memory_space<vmem>>, vector<1x16xf32>,
    %swap3A_351 = vector.shape_cast %swap3A_350 : vector<1x16xf32> to vector<16xf32>
    %swap3A_352 = vector.shape_cast %broadcast_in_dim3A_346 : vector<16xf32> to vector<1x16xf32>
    tpu.vector_store %arg18[%swap3A_348, %swap3A_349], %swap3A_352 {strides = array<i32>} : memref<8x128xf32, #tpu.memory_space<vmem>>, vector<1x16xf32>,
    %broadcast_in_dim3A_353 = arith.constant 0.000000e+00 : f32
    %broadcast_in_dim3A_354 = vector.broadcast %broadcast_in_dim3A_353 : f32 to vector<16xf32>
    %swap3A_355 = arith.constant 5 : i32
    %swap3A_356 = arith.index_cast %swap3A_355 : i32 to index
    %swap3A_357 = arith.constant 64 : index
    %swap3A_358 = tpu.vector_load %arg18[%swap3A_356, %swap3A_357] {strides = array<i32>} : memref<8x128xf32, #tpu.memory_space<vmem>>, vector<1x16xf32>,
    %swap3A_359 = vector.shape_cast %swap3A_358 : vector<1x16xf32> to vector<16xf32>
    %swap3A_360 = vector.shape_cast %broadcast_in_dim3A_354 : vector<16xf32> to vector<1x16xf32>
    tpu.vector_store %arg18[%swap3A_356, %swap3A_357], %swap3A_360 {strides = array<i32>} : memref<8x128xf32, #tpu.memory_space<vmem>>, vector<1x16xf32>,
    %broadcast_in_dim3A_361 = arith.constant 0.000000e+00 : f32
    %broadcast_in_dim3A_362 = vector.broadcast %broadcast_in_dim3A_361 : f32 to vector<16xf32>
    %swap3A_363 = arith.constant 5 : i32
    %swap3A_364 = arith.index_cast %swap3A_363 : i32 to index
    %swap3A_365 = arith.constant 80 : index
    %swap3A_366 = tpu.vector_load %arg18[%swap3A_364, %swap3A_365] {strides = array<i32>} : memref<8x128xf32, #tpu.memory_space<vmem>>, vector<1x16xf32>,
    %swap3A_367 = vector.shape_cast %swap3A_366 : vector<1x16xf32> to vector<16xf32>
    %swap3A_368 = vector.shape_cast %broadcast_in_dim3A_362 : vector<16xf32> to vector<1x16xf32>
    tpu.vector_store %arg18[%swap3A_364, %swap3A_365], %swap3A_368 {strides = array<i32>} : memref<8x128xf32, #tpu.memory_space<vmem>>, vector<1x16xf32>,
    %broadcast_in_dim3A_369 = arith.constant 0.000000e+00 : f32
    %broadcast_in_dim3A_370 = vector.broadcast %broadcast_in_dim3A_369 : f32 to vector<16xf32>
    %swap3A_371 = arith.constant 5 : i32
    %swap3A_372 = arith.index_cast %swap3A_371 : i32 to index
    %swap3A_373 = arith.constant 96 : index
    %swap3A_374 = tpu.vector_load %arg18[%swap3A_372, %swap3A_373] {strides = array<i32>} : memref<8x128xf32, #tpu.memory_space<vmem>>, vector<1x16xf32>,
    %swap3A_375 = vector.shape_cast %swap3A_374 : vector<1x16xf32> to vector<16xf32>
    %swap3A_376 = vector.shape_cast %broadcast_in_dim3A_370 : vector<16xf32> to vector<1x16xf32>
    tpu.vector_store %arg18[%swap3A_372, %swap3A_373], %swap3A_376 {strides = array<i32>} : memref<8x128xf32, #tpu.memory_space<vmem>>, vector<1x16xf32>,
    %broadcast_in_dim3A_377 = arith.constant 0.000000e+00 : f32
    %broadcast_in_dim3A_378 = vector.broadcast %broadcast_in_dim3A_377 : f32 to vector<16xf32>
    %swap3A_379 = arith.constant 5 : i32
    %swap3A_380 = arith.index_cast %swap3A_379 : i32 to index
    %swap3A_381 = arith.constant 112 : index
    %swap3A_382 = tpu.vector_load %arg18[%swap3A_380, %swap3A_381] {strides = array<i32>} : memref<8x128xf32, #tpu.memory_space<vmem>>, vector<1x16xf32>,
    %swap3A_383 = vector.shape_cast %swap3A_382 : vector<1x16xf32> to vector<16xf32>
    %swap3A_384 = vector.shape_cast %broadcast_in_dim3A_378 : vector<16xf32> to vector<1x16xf32>
    tpu.vector_store %arg18[%swap3A_380, %swap3A_381], %swap3A_384 {strides = array<i32>} : memref<8x128xf32, #tpu.memory_space<vmem>>, vector<1x16xf32>,
    %broadcast_in_dim3A_385 = arith.constant 0.000000e+00 : f32
    %broadcast_in_dim3A_386 = vector.broadcast %broadcast_in_dim3A_385 : f32 to vector<16xf32>
    %swap3A_387 = arith.constant 6 : i32
    %swap3A_388 = arith.index_cast %swap3A_387 : i32 to index
    %swap3A_389 = arith.constant 0 : index
    %swap3A_390 = tpu.vector_load %arg18[%swap3A_388, %swap3A_389] {strides = array<i32>} : memref<8x128xf32, #tpu.memory_space<vmem>>, vector<1x16xf32>,
    %swap3A_391 = vector.shape_cast %swap3A_390 : vector<1x16xf32> to vector<16xf32>
    %swap3A_392 = vector.shape_cast %broadcast_in_dim3A_386 : vector<16xf32> to vector<1x16xf32>
    tpu.vector_store %arg18[%swap3A_388, %swap3A_389], %swap3A_392 {strides = array<i32>} : memref<8x128xf32, #tpu.memory_space<vmem>>, vector<1x16xf32>,
    %broadcast_in_dim3A_393 = arith.constant 0.000000e+00 : f32
    %broadcast_in_dim3A_394 = vector.broadcast %broadcast_in_dim3A_393 : f32 to vector<16xf32>
    %swap3A_395 = arith.constant 6 : i32
    %swap3A_396 = arith.index_cast %swap3A_395 : i32 to index
    %swap3A_397 = arith.constant 16 : index
    %swap3A_398 = tpu.vector_load %arg18[%swap3A_396, %swap3A_397] {strides = array<i32>} : memref<8x128xf32, #tpu.memory_space<vmem>>, vector<1x16xf32>,
    %swap3A_399 = vector.shape_cast %swap3A_398 : vector<1x16xf32> to vector<16xf32>
    %swap3A_400 = vector.shape_cast %broadcast_in_dim3A_394 : vector<16xf32> to vector<1x16xf32>
    tpu.vector_store %arg18[%swap3A_396, %swap3A_397], %swap3A_400 {strides = array<i32>} : memref<8x128xf32, #tpu.memory_space<vmem>>, vector<1x16xf32>,
    %broadcast_in_dim3A_401 = arith.constant 0.000000e+00 : f32
    %broadcast_in_dim3A_402 = vector.broadcast %broadcast_in_dim3A_401 : f32 to vector<16xf32>
    %swap3A_403 = arith.constant 6 : i32
    %swap3A_404 = arith.index_cast %swap3A_403 : i32 to index
    %swap3A_405 = arith.constant 32 : index
    %swap3A_406 = tpu.vector_load %arg18[%swap3A_404, %swap3A_405] {strides = array<i32>} : memref<8x128xf32, #tpu.memory_space<vmem>>, vector<1x16xf32>,
    %swap3A_407 = vector.shape_cast %swap3A_406 : vector<1x16xf32> to vector<16xf32>
    %swap3A_408 = vector.shape_cast %broadcast_in_dim3A_402 : vector<16xf32> to vector<1x16xf32>
    tpu.vector_store %arg18[%swap3A_404, %swap3A_405], %swap3A_408 {strides = array<i32>} : memref<8x128xf32, #tpu.memory_space<vmem>>, vector<1x16xf32>,
    %broadcast_in_dim3A_409 = arith.constant 0.000000e+00 : f32
    %broadcast_in_dim3A_410 = vector.broadcast %broadcast_in_dim3A_409 : f32 to vector<16xf32>
    %swap3A_411 = arith.constant 6 : i32
    %swap3A_412 = arith.index_cast %swap3A_411 : i32 to index
    %swap3A_413 = arith.constant 48 : index
    %swap3A_414 = tpu.vector_load %arg18[%swap3A_412, %swap3A_413] {strides = array<i32>} : memref<8x128xf32, #tpu.memory_space<vmem>>, vector<1x16xf32>,
    %swap3A_415 = vector.shape_cast %swap3A_414 : vector<1x16xf32> to vector<16xf32>
    %swap3A_416 = vector.shape_cast %broadcast_in_dim3A_410 : vector<16xf32> to vector<1x16xf32>
    tpu.vector_store %arg18[%swap3A_412, %swap3A_413], %swap3A_416 {strides = array<i32>} : memref<8x128xf32, #tpu.memory_space<vmem>>, vector<1x16xf32>,
    %broadcast_in_dim3A_417 = arith.constant 0.000000e+00 : f32
    %broadcast_in_dim3A_418 = vector.broadcast %broadcast_in_dim3A_417 : f32 to vector<16xf32>
    %swap3A_419 = arith.constant 6 : i32
    %swap3A_420 = arith.index_cast %swap3A_419 : i32 to index
    %swap3A_421 = arith.constant 64 : index
    %swap3A_422 = tpu.vector_load %arg18[%swap3A_420, %swap3A_421] {strides = array<i32>} : memref<8x128xf32, #tpu.memory_space<vmem>>, vector<1x16xf32>,
    %swap3A_423 = vector.shape_cast %swap3A_422 : vector<1x16xf32> to vector<16xf32>
    %swap3A_424 = vector.shape_cast %broadcast_in_dim3A_418 : vector<16xf32> to vector<1x16xf32>
    tpu.vector_store %arg18[%swap3A_420, %swap3A_421], %swap3A_424 {strides = array<i32>} : memref<8x128xf32, #tpu.memory_space<vmem>>, vector<1x16xf32>,
    %broadcast_in_dim3A_425 = arith.constant 0.000000e+00 : f32
    %broadcast_in_dim3A_426 = vector.broadcast %broadcast_in_dim3A_425 : f32 to vector<16xf32>
    %swap3A_427 = arith.constant 6 : i32
    %swap3A_428 = arith.index_cast %swap3A_427 : i32 to index
    %swap3A_429 = arith.constant 80 : index
    %swap3A_430 = tpu.vector_load %arg18[%swap3A_428, %swap3A_429] {strides = array<i32>} : memref<8x128xf32, #tpu.memory_space<vmem>>, vector<1x16xf32>,
    %swap3A_431 = vector.shape_cast %swap3A_430 : vector<1x16xf32> to vector<16xf32>
    %swap3A_432 = vector.shape_cast %broadcast_in_dim3A_426 : vector<16xf32> to vector<1x16xf32>
    tpu.vector_store %arg18[%swap3A_428, %swap3A_429], %swap3A_432 {strides = array<i32>} : memref<8x128xf32, #tpu.memory_space<vmem>>, vector<1x16xf32>,
    %broadcast_in_dim3A_433 = arith.constant 0.000000e+00 : f32
    %broadcast_in_dim3A_434 = vector.broadcast %broadcast_in_dim3A_433 : f32 to vector<16xf32>
    %swap3A_435 = arith.constant 6 : i32
    %swap3A_436 = arith.index_cast %swap3A_435 : i32 to index
    %swap3A_437 = arith.constant 96 : index
    %swap3A_438 = tpu.vector_load %arg18[%swap3A_436, %swap3A_437] {strides = array<i32>} : memref<8x128xf32, #tpu.memory_space<vmem>>, vector<1x16xf32>,
    %swap3A_439 = vector.shape_cast %swap3A_438 : vector<1x16xf32> to vector<16xf32>
    %swap3A_440 = vector.shape_cast %broadcast_in_dim3A_434 : vector<16xf32> to vector<1x16xf32>
    tpu.vector_store %arg18[%swap3A_436, %swap3A_437], %swap3A_440 {strides = array<i32>} : memref<8x128xf32, #tpu.memory_space<vmem>>, vector<1x16xf32>,
    %broadcast_in_dim3A_441 = arith.constant 0.000000e+00 : f32
    %broadcast_in_dim3A_442 = vector.broadcast %broadcast_in_dim3A_441 : f32 to vector<16xf32>
    %swap3A_443 = arith.constant 6 : i32
    %swap3A_444 = arith.index_cast %swap3A_443 : i32 to index
    %swap3A_445 = arith.constant 112 : index
    %swap3A_446 = tpu.vector_load %arg18[%swap3A_444, %swap3A_445] {strides = array<i32>} : memref<8x128xf32, #tpu.memory_space<vmem>>, vector<1x16xf32>,
    %swap3A_447 = vector.shape_cast %swap3A_446 : vector<1x16xf32> to vector<16xf32>
    %swap3A_448 = vector.shape_cast %broadcast_in_dim3A_442 : vector<16xf32> to vector<1x16xf32>
    tpu.vector_store %arg18[%swap3A_444, %swap3A_445], %swap3A_448 {strides = array<i32>} : memref<8x128xf32, #tpu.memory_space<vmem>>, vector<1x16xf32>,
    %broadcast_in_dim3A_449 = arith.constant 0.000000e+00 : f32
    %broadcast_in_dim3A_450 = vector.broadcast %broadcast_in_dim3A_449 : f32 to vector<16xf32>
    %swap3A_451 = arith.constant 7 : i32
    %swap3A_452 = arith.index_cast %swap3A_451 : i32 to index
    %swap3A_453 = arith.constant 0 : index
    %swap3A_454 = tpu.vector_load %arg18[%swap3A_452, %swap3A_453] {strides = array<i32>} : memref<8x128xf32, #tpu.memory_space<vmem>>, vector<1x16xf32>,
    %swap3A_455 = vector.shape_cast %swap3A_454 : vector<1x16xf32> to vector<16xf32>
    %swap3A_456 = vector.shape_cast %broadcast_in_dim3A_450 : vector<16xf32> to vector<1x16xf32>
    tpu.vector_store %arg18[%swap3A_452, %swap3A_453], %swap3A_456 {strides = array<i32>} : memref<8x128xf32, #tpu.memory_space<vmem>>, vector<1x16xf32>,
    %broadcast_in_dim3A_457 = arith.constant 0.000000e+00 : f32
    %broadcast_in_dim3A_458 = vector.broadcast %broadcast_in_dim3A_457 : f32 to vector<16xf32>
    %swap3A_459 = arith.constant 7 : i32
    %swap3A_460 = arith.index_cast %swap3A_459 : i32 to index
    %swap3A_461 = arith.constant 16 : index
    %swap3A_462 = tpu.vector_load %arg18[%swap3A_460, %swap3A_461] {strides = array<i32>} : memref<8x128xf32, #tpu.memory_space<vmem>>, vector<1x16xf32>,
    %swap3A_463 = vector.shape_cast %swap3A_462 : vector<1x16xf32> to vector<16xf32>
    %swap3A_464 = vector.shape_cast %broadcast_in_dim3A_458 : vector<16xf32> to vector<1x16xf32>
    tpu.vector_store %arg18[%swap3A_460, %swap3A_461], %swap3A_464 {strides = array<i32>} : memref<8x128xf32, #tpu.memory_space<vmem>>, vector<1x16xf32>,
    %broadcast_in_dim3A_465 = arith.constant 0.000000e+00 : f32
    %broadcast_in_dim3A_466 = vector.broadcast %broadcast_in_dim3A_465 : f32 to vector<16xf32>
    %swap3A_467 = arith.constant 7 : i32
    %swap3A_468 = arith.index_cast %swap3A_467 : i32 to index
    %swap3A_469 = arith.constant 32 : index
    %swap3A_470 = tpu.vector_load %arg18[%swap3A_468, %swap3A_469] {strides = array<i32>} : memref<8x128xf32, #tpu.memory_space<vmem>>, vector<1x16xf32>,
    %swap3A_471 = vector.shape_cast %swap3A_470 : vector<1x16xf32> to vector<16xf32>
    %swap3A_472 = vector.shape_cast %broadcast_in_dim3A_466 : vector<16xf32> to vector<1x16xf32>
    tpu.vector_store %arg18[%swap3A_468, %swap3A_469], %swap3A_472 {strides = array<i32>} : memref<8x128xf32, #tpu.memory_space<vmem>>, vector<1x16xf32>,
    %broadcast_in_dim3A_473 = arith.constant 0.000000e+00 : f32
    %broadcast_in_dim3A_474 = vector.broadcast %broadcast_in_dim3A_473 : f32 to vector<16xf32>
    %swap3A_475 = arith.constant 7 : i32
    %swap3A_476 = arith.index_cast %swap3A_475 : i32 to index
    %swap3A_477 = arith.constant 48 : index
    %swap3A_478 = tpu.vector_load %arg18[%swap3A_476, %swap3A_477] {strides = array<i32>} : memref<8x128xf32, #tpu.memory_space<vmem>>, vector<1x16xf32>,
    %swap3A_479 = vector.shape_cast %swap3A_478 : vector<1x16xf32> to vector<16xf32>
    %swap3A_480 = vector.shape_cast %broadcast_in_dim3A_474 : vector<16xf32> to vector<1x16xf32>
    tpu.vector_store %arg18[%swap3A_476, %swap3A_477], %swap3A_480 {strides = array<i32>} : memref<8x128xf32, #tpu.memory_space<vmem>>, vector<1x16xf32>,
    %broadcast_in_dim3A_481 = arith.constant 0.000000e+00 : f32
    %broadcast_in_dim3A_482 = vector.broadcast %broadcast_in_dim3A_481 : f32 to vector<16xf32>
    %swap3A_483 = arith.constant 7 : i32
    %swap3A_484 = arith.index_cast %swap3A_483 : i32 to index
    %swap3A_485 = arith.constant 64 : index
    %swap3A_486 = tpu.vector_load %arg18[%swap3A_484, %swap3A_485] {strides = array<i32>} : memref<8x128xf32, #tpu.memory_space<vmem>>, vector<1x16xf32>,
    %swap3A_487 = vector.shape_cast %swap3A_486 : vector<1x16xf32> to vector<16xf32>
    %swap3A_488 = vector.shape_cast %broadcast_in_dim3A_482 : vector<16xf32> to vector<1x16xf32>
    tpu.vector_store %arg18[%swap3A_484, %swap3A_485], %swap3A_488 {strides = array<i32>} : memref<8x128xf32, #tpu.memory_space<vmem>>, vector<1x16xf32>,
    %broadcast_in_dim3A_489 = arith.constant 0.000000e+00 : f32
    %broadcast_in_dim3A_490 = vector.broadcast %broadcast_in_dim3A_489 : f32 to vector<16xf32>
    %swap3A_491 = arith.constant 7 : i32
    %swap3A_492 = arith.index_cast %swap3A_491 : i32 to index
    %swap3A_493 = arith.constant 80 : index
    %swap3A_494 = tpu.vector_load %arg18[%swap3A_492, %swap3A_493] {strides = array<i32>} : memref<8x128xf32, #tpu.memory_space<vmem>>, vector<1x16xf32>,
    %swap3A_495 = vector.shape_cast %swap3A_494 : vector<1x16xf32> to vector<16xf32>
    %swap3A_496 = vector.shape_cast %broadcast_in_dim3A_490 : vector<16xf32> to vector<1x16xf32>
    tpu.vector_store %arg18[%swap3A_492, %swap3A_493], %swap3A_496 {strides = array<i32>} : memref<8x128xf32, #tpu.memory_space<vmem>>, vector<1x16xf32>,
    %broadcast_in_dim3A_497 = arith.constant 0.000000e+00 : f32
    %broadcast_in_dim3A_498 = vector.broadcast %broadcast_in_dim3A_497 : f32 to vector<16xf32>
    %swap3A_499 = arith.constant 7 : i32
    %swap3A_500 = arith.index_cast %swap3A_499 : i32 to index
    %swap3A_501 = arith.constant 96 : index
    %swap3A_502 = tpu.vector_load %arg18[%swap3A_500, %swap3A_501] {strides = array<i32>} : memref<8x128xf32, #tpu.memory_space<vmem>>, vector<1x16xf32>,
    %swap3A_503 = vector.shape_cast %swap3A_502 : vector<1x16xf32> to vector<16xf32>
    %swap3A_504 = vector.shape_cast %broadcast_in_dim3A_498 : vector<16xf32> to vector<1x16xf32>
    tpu.vector_store %arg18[%swap3A_500, %swap3A_501], %swap3A_504 {strides = array<i32>} : memref<8x128xf32, #tpu.memory_space<vmem>>, vector<1x16xf32>,
    %broadcast_in_dim3A_505 = arith.constant 0.000000e+00 : f32
    %broadcast_in_dim3A_506 = vector.broadcast %broadcast_in_dim3A_505 : f32 to vector<16xf32>
    %swap3A_507 = arith.constant 7 : i32
    %swap3A_508 = arith.index_cast %swap3A_507 : i32 to index
    %swap3A_509 = arith.constant 112 : index
    %swap3A_510 = tpu.vector_load %arg18[%swap3A_508, %swap3A_509] {strides = array<i32>} : memref<8x128xf32, #tpu.memory_space<vmem>>, vector<1x16xf32>,
    %swap3A_511 = vector.shape_cast %swap3A_510 : vector<1x16xf32> to vector<16xf32>
    %swap3A_512 = vector.shape_cast %broadcast_in_dim3A_506 : vector<16xf32> to vector<1x16xf32>
    tpu.vector_store %arg18[%swap3A_508, %swap3A_509], %swap3A_512 {strides = array<i32>} : memref<8x128xf32, #tpu.memory_space<vmem>>, vector<1x16xf32>,
    %scan3A = arith.constant 0 : i32
    %scan3A_513 = arith.constant 0 : i32
    %scan3A_514 = arith.constant 79 : i32
    %scan3A_515 = arith.addi %scan3A_513, %scan3A_514 : i32
    %scan3A_516 = arith.constant 1 : i32
    scf.for %scan3A_527 = %scan3A_513 to %scan3A_515 step %scan3A_516  : i32 {
      %mul3A_528 = arith.constant 8 : i32
      %mul3A_529 = arith.muli %scan3A_527, %mul3A_528 : i32
      %add3A_530 = arith.addi %mul3A_2, %mul3A_529 : i32
      "tpu.region"() ({
        %run_scoped3A = tpu.sem_alloc : memref<!tpu.dma_semaphore, #tpu.memory_space<semaphore_mem>>
        %dma_start3A = arith.constant 0 : i32
        %dma_start3A_531 = tpu.memref_slice %arg19[%add3A_530, %dma_start3A] : memref<10112x128xf32, #tpu.memory_space<vmem_shared>> -> memref<8x128xf32, #tpu.memory_space<vmem_shared>>
        %dma_start3A_532 = arith.constant 0 : i32
        %dma_start3A_533 = tpu.memref_slice %arg19[%add3A_530, %dma_start3A_532] : memref<10112x128xf32, #tpu.memory_space<vmem_shared>> -> memref<8x128xf32, #tpu.memory_space<vmem_shared>>
        tpu.enqueue_dma source(%arg18 : memref<8x128xf32, #tpu.memory_space<vmem>>) target(%dma_start3A_533 : memref<8x128xf32, #tpu.memory_space<vmem_shared>>) target_semaphore(%run_scoped3A : memref<!tpu.dma_semaphore, #tpu.memory_space<semaphore_mem>>)
        %dma_wait3A = arith.constant 0 : i32
        %dma_wait3A_534 = tpu.memref_slice %arg19[%add3A_530, %dma_wait3A] : memref<10112x128xf32, #tpu.memory_space<vmem_shared>> -> memref<8x128xf32, #tpu.memory_space<vmem_shared>>
        %dma_wait3A_535 = arith.constant 0 : i32
        %dma_wait3A_536 = tpu.memref_slice %arg19[%add3A_530, %dma_wait3A_535] : memref<10112x128xf32, #tpu.memory_space<vmem_shared>> -> memref<8x128xf32, #tpu.memory_space<vmem_shared>>
        tpu.wait_dma2 semaphore(%run_scoped3A : memref<!tpu.dma_semaphore, #tpu.memory_space<semaphore_mem>>) src(%arg18 : memref<8x128xf32, #tpu.memory_space<vmem>>) dst(%dma_wait3A_536 : memref<8x128xf32, #tpu.memory_space<vmem_shared>>)
        tpu.yield
      }) : () -> ()
    }
    %scan3A_517 = arith.constant 79 : i32
    %eq3A = arith.constant 0 : i32
    %eq3A_518 = arith.cmpi eq, %arg1, %eq3A : i32
    %convert_element_type3A = arith.extui %eq3A_518 : i1 to i32
    %cond3A = arith.constant 0 : i32
    %cond3A_519 = arith.cmpi ne, %convert_element_type3A, %cond3A : i32
    scf.if %cond3A_519 {
      "tpu.region"() ({
        %run_scoped3A = tpu.sem_alloc : memref<!tpu.dma_semaphore, #tpu.memory_space<semaphore_mem>>
        tpu.enqueue_dma source(%arg3 : memref<200x128xf32, #tpu.memory_space<hbm>>) target(%arg20 : memref<200x128xf32, #tpu.memory_space<vmem_shared>>) target_semaphore(%run_scoped3A : memref<!tpu.dma_semaphore, #tpu.memory_space<semaphore_mem>>)
        tpu.wait_dma2 semaphore(%run_scoped3A : memref<!tpu.dma_semaphore, #tpu.memory_space<semaphore_mem>>) src(%arg3 : memref<200x128xf32, #tpu.memory_space<hbm>>) dst(%arg20 : memref<200x128xf32, #tpu.memory_space<vmem_shared>>)
        tpu.yield
      }) : () -> ()
    } else {
    }
    %barrier3A = arith.constant 0 : index
    tpu.barrier barrier_id(%barrier3A)
    %scan3A_520 = arith.constant 0 : i32
    %scan3A_521 = arith.constant 0 : i32
    %scan3A_522 = arith.constant 79 : i32
    %scan3A_523 = arith.addi %scan3A_521, %scan3A_522 : i32
    %scan3A_524 = arith.constant 1 : i32
    scf.for %scan3A_527 = %scan3A_521 to %scan3A_523 step %scan3A_524  : i32 {
      %mul3A_528 = arith.constant 10112 : i32
      %mul3A_529 = arith.muli %add3A, %mul3A_528 : i32
      %mul3A_530 = arith.constant 2 : i32
      %mul3A_531 = arith.muli %mul3A_530, %scan3A_527 : i32
      %mul3A_532 = arith.constant 64 : i32
      %mul3A_533 = arith.muli %mul3A_531, %mul3A_532 : i32
      %add3A_534 = arith.addi %mul3A_529, %mul3A_533 : i32
      %dma_start3A = tpu.memref_slice %arg4[%add3A_534] : memref<323584xi32, #tpu.memory_space<hbm>> -> memref<64xi32, #tpu.memory_space<hbm>>
      %dma_start3A_535 = tpu.memref_slice %arg4[%add3A_534] : memref<323584xi32, #tpu.memory_space<hbm>> -> memref<64xi32, #tpu.memory_space<hbm>>
      tpu.enqueue_dma source(%dma_start3A_535 : memref<64xi32, #tpu.memory_space<hbm>>) target(%arg8 : memref<64xi32, #tpu.memory_space<vmem>>) target_semaphore(%arg21 : memref<!tpu.dma_semaphore, #tpu.memory_space<semaphore_mem>>)
      %dma_start3A_536 = tpu.memref_slice %arg6[%add3A_534] : memref<323584xi32, #tpu.memory_space<hbm>> -> memref<64xi32, #tpu.memory_space<hbm>>
      %dma_start3A_537 = tpu.memref_slice %arg6[%add3A_534] : memref<323584xi32, #tpu.memory_space<hbm>> -> memref<64xi32, #tpu.memory_space<hbm>>
      tpu.enqueue_dma source(%dma_start3A_537 : memref<64xi32, #tpu.memory_space<hbm>>) target(%arg10 : memref<64xi32, #tpu.memory_space<vmem>>) target_semaphore(%arg22 : memref<!tpu.dma_semaphore, #tpu.memory_space<semaphore_mem>>)
      %add3A_538 = arith.constant 64 : i32
      %add3A_539 = arith.addi %add3A_534, %add3A_538 : i32
      %dma_start3A_540 = tpu.memref_slice %arg4[%add3A_539] : memref<323584xi32, #tpu.memory_space<hbm>> -> memref<64xi32, #tpu.memory_space<hbm>>
      %dma_start3A_541 = tpu.memref_slice %arg4[%add3A_539] : memref<323584xi32, #tpu.memory_space<hbm>> -> memref<64xi32, #tpu.memory_space<hbm>>
      tpu.enqueue_dma source(%dma_start3A_541 : memref<64xi32, #tpu.memory_space<hbm>>) target(%arg13 : memref<64xi32, #tpu.memory_space<vmem>>) target_semaphore(%arg28 : memref<!tpu.dma_semaphore, #tpu.memory_space<semaphore_mem>>)
      %add3A_542 = arith.constant 64 : i32
      %add3A_543 = arith.addi %add3A_534, %add3A_542 : i32
      %dma_start3A_544 = tpu.memref_slice %arg6[%add3A_543] : memref<323584xi32, #tpu.memory_space<hbm>> -> memref<64xi32, #tpu.memory_space<hbm>>
      %dma_start3A_545 = tpu.memref_slice %arg6[%add3A_543] : memref<323584xi32, #tpu.memory_space<hbm>> -> memref<64xi32, #tpu.memory_space<hbm>>
      tpu.enqueue_dma source(%dma_start3A_545 : memref<64xi32, #tpu.memory_space<hbm>>) target(%arg15 : memref<64xi32, #tpu.memory_space<vmem>>) target_semaphore(%arg29 : memref<!tpu.dma_semaphore, #tpu.memory_space<semaphore_mem>>)
      %dma_start3A_546 = tpu.memref_slice %arg5[%add3A_534] : memref<323584xi32, #tpu.memory_space<hbm>> -> memref<64xi32, #tpu.memory_space<hbm>>
      %dma_start3A_547 = tpu.memref_slice %arg5[%add3A_534] : memref<323584xi32, #tpu.memory_space<hbm>> -> memref<64xi32, #tpu.memory_space<hbm>>
      tpu.enqueue_dma source(%dma_start3A_547 : memref<64xi32, #tpu.memory_space<hbm>>) target(%arg9 : memref<64xi32, #tpu.memory_space<vmem>>) target_semaphore(%arg23 : memref<!tpu.dma_semaphore, #tpu.memory_space<semaphore_mem>>)
      %add3A_548 = arith.constant 64 : i32
      %add3A_549 = arith.addi %add3A_534, %add3A_548 : i32
      %dma_start3A_550 = tpu.memref_slice %arg5[%add3A_549] : memref<323584xi32, #tpu.memory_space<hbm>> -> memref<64xi32, #tpu.memory_space<hbm>>
      %dma_start3A_551 = tpu.memref_slice %arg5[%add3A_549] : memref<323584xi32, #tpu.memory_space<hbm>> -> memref<64xi32, #tpu.memory_space<hbm>>
      tpu.enqueue_dma source(%dma_start3A_551 : memref<64xi32, #tpu.memory_space<hbm>>) target(%arg14 : memref<64xi32, #tpu.memory_space<vmem>>) target_semaphore(%arg30 : memref<!tpu.dma_semaphore, #tpu.memory_space<semaphore_mem>>)
      %dma_wait3A = tpu.memref_slice %arg4[%add3A_534] : memref<323584xi32, #tpu.memory_space<hbm>> -> memref<64xi32, #tpu.memory_space<hbm>>
      %dma_wait3A_552 = tpu.memref_slice %arg4[%add3A_534] : memref<323584xi32, #tpu.memory_space<hbm>> -> memref<64xi32, #tpu.memory_space<hbm>>
      tpu.wait_dma2 semaphore(%arg21 : memref<!tpu.dma_semaphore, #tpu.memory_space<semaphore_mem>>) src(%dma_wait3A_552 : memref<64xi32, #tpu.memory_space<hbm>>) dst(%arg8 : memref<64xi32, #tpu.memory_space<vmem>>)
      %dma_wait3A_553 = tpu.memref_slice %arg6[%add3A_534] : memref<323584xi32, #tpu.memory_space<hbm>> -> memref<64xi32, #tpu.memory_space<hbm>>
      %dma_wait3A_554 = tpu.memref_slice %arg6[%add3A_534] : memref<323584xi32, #tpu.memory_space<hbm>> -> memref<64xi32, #tpu.memory_space<hbm>>
      tpu.wait_dma2 semaphore(%arg22 : memref<!tpu.dma_semaphore, #tpu.memory_space<semaphore_mem>>) src(%dma_wait3A_554 : memref<64xi32, #tpu.memory_space<hbm>>) dst(%arg10 : memref<64xi32, #tpu.memory_space<vmem>>)
      %dma_start3A_555 = arith.constant 0 : i32
      %dma_start3A_556 = arith.constant 0 : i32
      %dma_start3A_557 = tpu.memref_slice %arg2[%dma_start3A_555, %dma_start3A_556] : memref<10000x128xf32, #tpu.memory_space<hbm>> -> memref<10000x128xf32, #tpu.memory_space<hbm>>
      tpu.enqueue_indirect_dma source(%dma_start3A_557 : memref<10000x128xf32, #tpu.memory_space<hbm>>) target(%arg11 : memref<64x128xf32, #tpu.memory_space<vmem>>) offsets(%arg8 : memref<64xi32, #tpu.memory_space<vmem>>) semaphore(%arg24 : memref<!tpu.dma_semaphore, #tpu.memory_space<semaphore_mem>>)
      %dma_start3A_558 = arith.constant 0 : i32
      %dma_start3A_559 = arith.constant 0 : i32
      %dma_start3A_560 = tpu.memref_slice %arg20[%dma_start3A_558, %dma_start3A_559] : memref<200x128xf32, #tpu.memory_space<vmem_shared>> -> memref<200x128xf32, #tpu.memory_space<vmem_shared>>
      tpu.enqueue_indirect_dma source(%dma_start3A_560 : memref<200x128xf32, #tpu.memory_space<vmem_shared>>) target(%arg12 : memref<64x128xf32, #tpu.memory_space<vmem>>) offsets(%arg10 : memref<64xi32, #tpu.memory_space<vmem>>) semaphore(%arg25 : memref<!tpu.dma_semaphore, #tpu.memory_space<semaphore_mem>>)
      %dma_wait3A_561 = tpu.memref_slice %arg4[%add3A_539] : memref<323584xi32, #tpu.memory_space<hbm>> -> memref<64xi32, #tpu.memory_space<hbm>>
      %dma_wait3A_562 = tpu.memref_slice %arg4[%add3A_539] : memref<323584xi32, #tpu.memory_space<hbm>> -> memref<64xi32, #tpu.memory_space<hbm>>
      tpu.wait_dma2 semaphore(%arg28 : memref<!tpu.dma_semaphore, #tpu.memory_space<semaphore_mem>>) src(%dma_wait3A_562 : memref<64xi32, #tpu.memory_space<hbm>>) dst(%arg13 : memref<64xi32, #tpu.memory_space<vmem>>)
      %dma_wait3A_563 = tpu.memref_slice %arg6[%add3A_543] : memref<323584xi32, #tpu.memory_space<hbm>> -> memref<64xi32, #tpu.memory_space<hbm>>
      %dma_wait3A_564 = tpu.memref_slice %arg6[%add3A_543] : memref<323584xi32, #tpu.memory_space<hbm>> -> memref<64xi32, #tpu.memory_space<hbm>>
      tpu.wait_dma2 semaphore(%arg29 : memref<!tpu.dma_semaphore, #tpu.memory_space<semaphore_mem>>) src(%dma_wait3A_564 : memref<64xi32, #tpu.memory_space<hbm>>) dst(%arg15 : memref<64xi32, #tpu.memory_space<vmem>>)
      %dma_start3A_565 = arith.constant 0 : i32
      %dma_start3A_566 = arith.constant 0 : i32
      %dma_start3A_567 = tpu.memref_slice %arg2[%dma_start3A_565, %dma_start3A_566] : memref<10000x128xf32, #tpu.memory_space<hbm>> -> memref<10000x128xf32, #tpu.memory_space<hbm>>
      tpu.enqueue_indirect_dma source(%dma_start3A_567 : memref<10000x128xf32, #tpu.memory_space<hbm>>) target(%arg16 : memref<64x128xf32, #tpu.memory_space<vmem>>) offsets(%arg13 : memref<64xi32, #tpu.memory_space<vmem>>) semaphore(%arg31 : memref<!tpu.dma_semaphore, #tpu.memory_space<semaphore_mem>>)
      %dma_start3A_568 = arith.constant 0 : i32
      %dma_start3A_569 = arith.constant 0 : i32
      %dma_start3A_570 = tpu.memref_slice %arg20[%dma_start3A_568, %dma_start3A_569] : memref<200x128xf32, #tpu.memory_space<vmem_shared>> -> memref<200x128xf32, #tpu.memory_space<vmem_shared>>
      tpu.enqueue_indirect_dma source(%dma_start3A_570 : memref<200x128xf32, #tpu.memory_space<vmem_shared>>) target(%arg17 : memref<64x128xf32, #tpu.memory_space<vmem>>) offsets(%arg15 : memref<64xi32, #tpu.memory_space<vmem>>) semaphore(%arg32 : memref<!tpu.dma_semaphore, #tpu.memory_space<semaphore_mem>>)
      %dma_wait3A_571 = tpu.memref_slice %arg5[%add3A_534] : memref<323584xi32, #tpu.memory_space<hbm>> -> memref<64xi32, #tpu.memory_space<hbm>>
      %dma_wait3A_572 = tpu.memref_slice %arg5[%add3A_534] : memref<323584xi32, #tpu.memory_space<hbm>> -> memref<64xi32, #tpu.memory_space<hbm>>
      tpu.wait_dma2 semaphore(%arg23 : memref<!tpu.dma_semaphore, #tpu.memory_space<semaphore_mem>>) src(%dma_wait3A_572 : memref<64xi32, #tpu.memory_space<hbm>>) dst(%arg9 : memref<64xi32, #tpu.memory_space<vmem>>)
      %dma_wait3A_573 = arith.constant 0 : i32
      %dma_wait3A_574 = arith.constant 0 : i32
      %dma_wait3A_575 = tpu.memref_slice %arg2[%dma_wait3A_573, %dma_wait3A_574] : memref<10000x128xf32, #tpu.memory_space<hbm>> -> memref<10000x128xf32, #tpu.memory_space<hbm>>
      tpu.wait_indirect_dma semaphore(%arg24 : memref<!tpu.dma_semaphore, #tpu.memory_space<semaphore_mem>>) src(%dma_wait3A_575 : memref<10000x128xf32, #tpu.memory_space<hbm>>) dst(%arg11 : memref<64x128xf32, #tpu.memory_space<vmem>>)
      %dma_wait3A_576 = arith.constant 0 : i32
      %dma_wait3A_577 = arith.constant 0 : i32
      %dma_wait3A_578 = tpu.memref_slice %arg20[%dma_wait3A_576, %dma_wait3A_577] : memref<200x128xf32, #tpu.memory_space<vmem_shared>> -> memref<200x128xf32, #tpu.memory_space<vmem_shared>>
      tpu.wait_indirect_dma semaphore(%arg25 : memref<!tpu.dma_semaphore, #tpu.memory_space<semaphore_mem>>) src(%dma_wait3A_578 : memref<200x128xf32, #tpu.memory_space<vmem_shared>>) dst(%arg12 : memref<64x128xf32, #tpu.memory_space<vmem>>)
      %dma_start3A_579 = arith.constant 0 : i32
      %dma_start3A_580 = arith.constant 0 : i32
      %dma_start3A_581 = tpu.memref_slice %arg19[%dma_start3A_579, %dma_start3A_580] : memref<10112x128xf32, #tpu.memory_space<vmem_shared>> -> memref<10112x128xf32, #tpu.memory_space<vmem_shared>>
      tpu.enqueue_indirect_dma source(%arg11 : memref<64x128xf32, #tpu.memory_space<vmem>>) target(%dma_start3A_581 : memref<10112x128xf32, #tpu.memory_space<vmem_shared>>) offsets(%arg9 : memref<64xi32, #tpu.memory_space<vmem>>) semaphore(%arg26 : memref<!tpu.dma_semaphore, #tpu.memory_space<semaphore_mem>>) {add = true}
      %dma_start3A_582 = arith.constant 0 : i32
      %dma_start3A_583 = arith.constant 0 : i32
      %dma_start3A_584 = tpu.memref_slice %arg19[%dma_start3A_582, %dma_start3A_583] : memref<10112x128xf32, #tpu.memory_space<vmem_shared>> -> memref<10112x128xf32, #tpu.memory_space<vmem_shared>>
      tpu.enqueue_indirect_dma source(%arg12 : memref<64x128xf32, #tpu.memory_space<vmem>>) target(%dma_start3A_584 : memref<10112x128xf32, #tpu.memory_space<vmem_shared>>) offsets(%arg9 : memref<64xi32, #tpu.memory_space<vmem>>) semaphore(%arg27 : memref<!tpu.dma_semaphore, #tpu.memory_space<semaphore_mem>>) {add = true}
      %dma_wait3A_585 = tpu.memref_slice %arg5[%add3A_549] : memref<323584xi32, #tpu.memory_space<hbm>> -> memref<64xi32, #tpu.memory_space<hbm>>
      %dma_wait3A_586 = tpu.memref_slice %arg5[%add3A_549] : memref<323584xi32, #tpu.memory_space<hbm>> -> memref<64xi32, #tpu.memory_space<hbm>>
      tpu.wait_dma2 semaphore(%arg30 : memref<!tpu.dma_semaphore, #tpu.memory_space<semaphore_mem>>) src(%dma_wait3A_586 : memref<64xi32, #tpu.memory_space<hbm>>) dst(%arg14 : memref<64xi32, #tpu.memory_space<vmem>>)
      %dma_wait3A_587 = arith.constant 0 : i32
      %dma_wait3A_588 = arith.constant 0 : i32
      %dma_wait3A_589 = tpu.memref_slice %arg2[%dma_wait3A_587, %dma_wait3A_588] : memref<10000x128xf32, #tpu.memory_space<hbm>> -> memref<10000x128xf32, #tpu.memory_space<hbm>>
      tpu.wait_indirect_dma semaphore(%arg31 : memref<!tpu.dma_semaphore, #tpu.memory_space<semaphore_mem>>) src(%dma_wait3A_589 : memref<10000x128xf32, #tpu.memory_space<hbm>>) dst(%arg16 : memref<64x128xf32, #tpu.memory_space<vmem>>)
      %dma_wait3A_590 = arith.constant 0 : i32
      %dma_wait3A_591 = arith.constant 0 : i32
      %dma_wait3A_592 = tpu.memref_slice %arg20[%dma_wait3A_590, %dma_wait3A_591] : memref<200x128xf32, #tpu.memory_space<vmem_shared>> -> memref<200x128xf32, #tpu.memory_space<vmem_shared>>
      tpu.wait_indirect_dma semaphore(%arg32 : memref<!tpu.dma_semaphore, #tpu.memory_space<semaphore_mem>>) src(%dma_wait3A_592 : memref<200x128xf32, #tpu.memory_space<vmem_shared>>) dst(%arg17 : memref<64x128xf32, #tpu.memory_space<vmem>>)
      %dma_start3A_593 = arith.constant 0 : i32
      %dma_start3A_594 = arith.constant 0 : i32
      %dma_start3A_595 = tpu.memref_slice %arg19[%dma_start3A_593, %dma_start3A_594] : memref<10112x128xf32, #tpu.memory_space<vmem_shared>> -> memref<10112x128xf32, #tpu.memory_space<vmem_shared>>
      tpu.enqueue_indirect_dma source(%arg16 : memref<64x128xf32, #tpu.memory_space<vmem>>) target(%dma_start3A_595 : memref<10112x128xf32, #tpu.memory_space<vmem_shared>>) offsets(%arg14 : memref<64xi32, #tpu.memory_space<vmem>>) semaphore(%arg33 : memref<!tpu.dma_semaphore, #tpu.memory_space<semaphore_mem>>) {add = true}
      %dma_start3A_596 = arith.constant 0 : i32
      %dma_start3A_597 = arith.constant 0 : i32
      %dma_start3A_598 = tpu.memref_slice %arg19[%dma_start3A_596, %dma_start3A_597] : memref<10112x128xf32, #tpu.memory_space<vmem_shared>> -> memref<10112x128xf32, #tpu.memory_space<vmem_shared>>
      tpu.enqueue_indirect_dma source(%arg17 : memref<64x128xf32, #tpu.memory_space<vmem>>) target(%dma_start3A_598 : memref<10112x128xf32, #tpu.memory_space<vmem_shared>>) offsets(%arg14 : memref<64xi32, #tpu.memory_space<vmem>>) semaphore(%arg34 : memref<!tpu.dma_semaphore, #tpu.memory_space<semaphore_mem>>) {add = true}
      %dma_wait3A_599 = arith.constant 0 : i32
      %dma_wait3A_600 = arith.constant 0 : i32
      %dma_wait3A_601 = tpu.memref_slice %arg19[%dma_wait3A_599, %dma_wait3A_600] : memref<10112x128xf32, #tpu.memory_space<vmem_shared>> -> memref<10112x128xf32, #tpu.memory_space<vmem_shared>>
      tpu.wait_indirect_dma semaphore(%arg26 : memref<!tpu.dma_semaphore, #tpu.memory_space<semaphore_mem>>) src(%arg11 : memref<64x128xf32, #tpu.memory_space<vmem>>) dst(%dma_wait3A_601 : memref<10112x128xf32, #tpu.memory_space<vmem_shared>>)
      %dma_wait3A_602 = arith.constant 0 : i32
      %dma_wait3A_603 = arith.constant 0 : i32
      %dma_wait3A_604 = tpu.memref_slice %arg19[%dma_wait3A_602, %dma_wait3A_603] : memref<10112x128xf32, #tpu.memory_space<vmem_shared>> -> memref<10112x128xf32, #tpu.memory_space<vmem_shared>>
      tpu.wait_indirect_dma semaphore(%arg27 : memref<!tpu.dma_semaphore, #tpu.memory_space<semaphore_mem>>) src(%arg12 : memref<64x128xf32, #tpu.memory_space<vmem>>) dst(%dma_wait3A_604 : memref<10112x128xf32, #tpu.memory_space<vmem_shared>>)
      %dma_wait3A_605 = arith.constant 0 : i32
      %dma_wait3A_606 = arith.constant 0 : i32
      %dma_wait3A_607 = tpu.memref_slice %arg19[%dma_wait3A_605, %dma_wait3A_606] : memref<10112x128xf32, #tpu.memory_space<vmem_shared>> -> memref<10112x128xf32, #tpu.memory_space<vmem_shared>>
      tpu.wait_indirect_dma semaphore(%arg33 : memref<!tpu.dma_semaphore, #tpu.memory_space<semaphore_mem>>) src(%arg16 : memref<64x128xf32, #tpu.memory_space<vmem>>) dst(%dma_wait3A_607 : memref<10112x128xf32, #tpu.memory_space<vmem_shared>>)
      %dma_wait3A_608 = arith.constant 0 : i32
      %dma_wait3A_609 = arith.constant 0 : i32
      %dma_wait3A_610 = tpu.memref_slice %arg19[%dma_wait3A_608, %dma_wait3A_609] : memref<10112x128xf32, #tpu.memory_space<vmem_shared>> -> memref<10112x128xf32, #tpu.memory_space<vmem_shared>>
      tpu.wait_indirect_dma semaphore(%arg34 : memref<!tpu.dma_semaphore, #tpu.memory_space<semaphore_mem>>) src(%arg17 : memref<64x128xf32, #tpu.memory_space<vmem>>) dst(%dma_wait3A_610 : memref<10112x128xf32, #tpu.memory_space<vmem_shared>>)
    }
    %scan3A_525 = arith.constant 79 : i32
    %barrier3A_526 = arith.constant 0 : index
    tpu.barrier barrier_id(%barrier3A_526)
    "tpu.region"() ({
      %run_scoped3A = tpu.sem_alloc : memref<!tpu.dma_semaphore, #tpu.memory_space<semaphore_mem>>
      %dma_start3A = arith.constant 0 : i32
      %dma_start3A_527 = tpu.memref_slice %arg7[%arg0, %mul3A_2, %dma_start3A] : memref<2x10112x128xf32, #tpu.memory_space<hbm>> -> memref<1x632x128xf32, #tpu.memory_space<hbm>>
      %dma_start3A_528 = tpu.memref_squeeze %dma_start3A_527 : memref<1x632x128xf32, #tpu.memory_space<hbm>> -> memref<632x128xf32, #tpu.memory_space<hbm>>
      %dma_start3A_529 = arith.constant 0 : i32
      %dma_start3A_530 = tpu.memref_slice %arg19[%mul3A_2, %dma_start3A_529] : memref<10112x128xf32, #tpu.memory_space<vmem_shared>> -> memref<632x128xf32, #tpu.memory_space<vmem_shared>>
      tpu.enqueue_dma source(%dma_start3A_530 : memref<632x128xf32, #tpu.memory_space<vmem_shared>>) target(%dma_start3A_528 : memref<632x128xf32, #tpu.memory_space<hbm>>) target_semaphore(%run_scoped3A : memref<!tpu.dma_semaphore, #tpu.memory_space<semaphore_mem>>)
      %dma_wait3A = arith.constant 0 : i32
      %dma_wait3A_531 = tpu.memref_slice %arg7[%arg0, %mul3A_2, %dma_wait3A] : memref<2x10112x128xf32, #tpu.memory_space<hbm>> -> memref<1x632x128xf32, #tpu.memory_space<hbm>>
      %dma_wait3A_532 = tpu.memref_squeeze %dma_wait3A_531 : memref<1x632x128xf32, #tpu.memory_space<hbm>> -> memref<632x128xf32, #tpu.memory_space<hbm>>
      %dma_wait3A_533 = arith.constant 0 : i32
      %dma_wait3A_534 = tpu.memref_slice %arg19[%mul3A_2, %dma_wait3A_533] : memref<10112x128xf32, #tpu.memory_space<vmem_shared>> -> memref<632x128xf32, #tpu.memory_space<vmem_shared>>
      tpu.wait_dma2 semaphore(%run_scoped3A : memref<!tpu.dma_semaphore, #tpu.memory_space<semaphore_mem>>) src(%dma_wait3A_534 : memref<632x128xf32, #tpu.memory_space<vmem_shared>>) dst(%dma_wait3A_532 : memref<632x128xf32, #tpu.memory_space<hbm>>)
      tpu.yield
    }) : () -> ()
    return
  }
}

module attributes {stable_mosaic.version = 14 : i64} {
  func.func @_matmul_body(%arg0: i32, %arg1: memref<600x128xf32, #tpu.memory_space<vmem>>, %arg2: memref<128x384xf32, #tpu.memory_space<vmem>>, %arg3: memref<600x384xf32, #tpu.memory_space<vmem>>) attributes {dimension_semantics = [#tpu.dimension_semantics<arbitrary>], iteration_bounds = array<i64: 17>, scalar_prefetch = 0 : i64, scratch_operands = 0 : i64, tpu.core_type = #tpu.core_type<tc>, window_params = [{transform_indices = @transform_0, window_bounds = array<i64: 600, 128>}, {pipeline_mode = #tpu.pipeline_mode<synchronous>, transform_indices = @transform_1, window_bounds = array<i64: 128, 384>}, {transform_indices = @transform_2, window_bounds = array<i64: 600, 384>}]} {
    %get3A = arith.constant 0 : index
    %get3A_0 = arith.constant 0 : index
    %get3A_1 = vector.load %arg1[%get3A, %get3A_0] : memref<600x128xf32, #tpu.memory_space<vmem>>, vector<600x128xf32>
    %get3A_2 = arith.constant 0 : index
    %get3A_3 = arith.constant 0 : index
    %get3A_4 = vector.load %arg2[%get3A_2, %get3A_3] : memref<128x384xf32, #tpu.memory_space<vmem>>, vector<128x384xf32>
    %dot_general3A = arith.constant dense<0.000000e+00> : vector<600x384xf32>
    %dot_general3A_5 = tpu.matmul %get3A_1, %get3A_4, %dot_general3A {dimension_numbers = #tpu.dot_dimension_numbers<[1], [0], [0], [1], [0, 0, 1, 1], [], []>, transpose_lhs_hint = false} : vector<600x128xf32>, vector<128x384xf32>, vector<600x384xf32> -> vector<600x384xf32>
    %swap3A = arith.constant 0 : index
    %swap3A_6 = arith.constant 0 : index
    %swap3A_7 = vector.load %arg3[%swap3A, %swap3A_6] : memref<600x384xf32, #tpu.memory_space<vmem>>, vector<600x384xf32>
    tpu.vector_store %arg3[%swap3A, %swap3A_6], %dot_general3A_5 {strides = array<i32>} : memref<600x384xf32, #tpu.memory_space<vmem>>, vector<600x384xf32>,
    return
  }
  func.func @transform_0(%arg0: i32) -> (i32, i32) {
    %c0_i32 = arith.constant 0 : i32
    %c0_i32_0 = arith.constant 0 : i32
    return %arg0, %c0_i32 : i32, i32
  }
  func.func @transform_1(%arg0: i32) -> (i32, i32) {
    %c0_i32 = arith.constant 0 : i32
    %c0_i32_0 = arith.constant 0 : i32
    %c0_i32_1 = arith.constant 0 : i32
    return %c0_i32, %c0_i32_0 : i32, i32
  }
  func.func @transform_2(%arg0: i32) -> (i32, i32) {
    %c0_i32 = arith.constant 0 : i32
    %c0_i32_0 = arith.constant 0 : i32
    return %arg0, %c0_i32 : i32, i32
  }
}

module attributes {stable_mosaic.version = 14 : i64} {
  func.func @_combine_body(%arg0: i32, %arg1: memref<2x128x128xf32, #tpu.memory_space<vmem>>, %arg2: memref<128x384xf32, #tpu.memory_space<vmem>>, %arg3: memref<128x1xf32, #tpu.memory_space<vmem>>, %arg4: memref<128x128xf32, #tpu.memory_space<vmem>>) attributes {dimension_semantics = [#tpu.dimension_semantics<arbitrary>], iteration_bounds = array<i64: 79>, scalar_prefetch = 0 : i64, scratch_operands = 0 : i64, tpu.core_type = #tpu.core_type<tc>, window_params = [{transform_indices = @transform_0, window_bounds = array<i64: 2, 128, 128>}, {transform_indices = @transform_1, window_bounds = array<i64: 128, 384>}, {transform_indices = @transform_2, window_bounds = array<i64: 128, 1>}, {transform_indices = @transform_3, window_bounds = array<i64: 128, 128>}]} {
    %get3A = arith.constant 0 : index
    %get3A_0 = arith.constant 0 : index
    %get3A_1 = arith.constant 0 : index
    %get3A_2 = vector.load %arg1[%get3A, %get3A_0, %get3A_1] : memref<2x128x128xf32, #tpu.memory_space<vmem>>, vector<1x128x128xf32>
    %get3A_3 = vector.shape_cast %get3A_2 : vector<1x128x128xf32> to vector<128x128xf32>
    %get3A_4 = arith.constant 1 : index
    %get3A_5 = arith.constant 0 : index
    %get3A_6 = arith.constant 0 : index
    %get3A_7 = vector.load %arg1[%get3A_4, %get3A_5, %get3A_6] : memref<2x128x128xf32, #tpu.memory_space<vmem>>, vector<1x128x128xf32>
    %get3A_8 = vector.shape_cast %get3A_7 : vector<1x128x128xf32> to vector<128x128xf32>
    %add3A = arith.addf %get3A_3, %get3A_8 : vector<128x128xf32>
    %get3A_9 = arith.constant 0 : index
    %get3A_10 = arith.constant 128 : index
    %get3A_11 = vector.load %arg2[%get3A_9, %get3A_10] : memref<128x384xf32, #tpu.memory_space<vmem>>, vector<128x128xf32>
    %get3A_12 = arith.constant 0 : index
    %get3A_13 = arith.constant 256 : index
    %get3A_14 = vector.load %arg2[%get3A_12, %get3A_13] : memref<128x384xf32, #tpu.memory_space<vmem>>, vector<128x128xf32>
    %abs3A = math.absf %add3A : vector<128x128xf32>
    %reduce_max3A = arith.constant dense<0xFF800000> : vector<128xf32>
    %reduce_max3A_15 = vector.multi_reduction <maximumf>, %abs3A, %reduce_max3A [1] : vector<128x128xf32> to vector<128xf32>
    %broadcast_in_dim3A = vector.shape_cast %reduce_max3A_15 : vector<128xf32> to vector<128x1xf32>
    %gt3A = arith.constant 0.000000e+00 : f32
    %gt3A_16 = vector.broadcast %gt3A : f32 to vector<128x1xf32>
    %gt3A_17 = arith.cmpf ogt, %broadcast_in_dim3A, %gt3A_16 : vector<128x1xf32>
    %get3A_18 = arith.constant 0 : index
    %get3A_19 = arith.constant 0 : index
    %get3A_20 = vector.load %arg3[%get3A_18, %get3A_19] : memref<128x1xf32, #tpu.memory_space<vmem>>, vector<128x1xf32>
    %mul3A = vector.broadcast %get3A_20 : vector<128x1xf32> to vector<128x128xf32>
    %mul3A_21 = arith.mulf %add3A, %mul3A : vector<128x128xf32>
    %broadcast_in_dim3A_22 = vector.shape_cast %gt3A_17 : vector<128x1xi1> to vector<128x1xi1>
    %broadcast_in_dim3A_23 = vector.broadcast %broadcast_in_dim3A_22 : vector<128x1xi1> to vector<128x128xi1>
    %select_n3A = arith.select %broadcast_in_dim3A_23, %get3A_11, %get3A_14 : vector<128x128xi1>, vector<128x128xf32>
    %add3A_24 = arith.addf %mul3A_21, %select_n3A : vector<128x128xf32>
    %swap3A = arith.constant 0 : index
    %swap3A_25 = arith.constant 0 : index
    %swap3A_26 = vector.load %arg4[%swap3A, %swap3A_25] : memref<128x128xf32, #tpu.memory_space<vmem>>, vector<128x128xf32>
    tpu.vector_store %arg4[%swap3A, %swap3A_25], %add3A_24 {strides = array<i32>} : memref<128x128xf32, #tpu.memory_space<vmem>>, vector<128x128xf32>,
    return
  }
  func.func @transform_0(%arg0: i32) -> (i32, i32, i32) {
    %c0_i32 = arith.constant 0 : i32
    %c0_i32_0 = arith.constant 0 : i32
    %c0_i32_1 = arith.constant 0 : i32
    return %c0_i32, %arg0, %c0_i32_0 : i32, i32, i32
  }
  func.func @transform_1(%arg0: i32) -> (i32, i32) {
    %c0_i32 = arith.constant 0 : i32
    %c0_i32_0 = arith.constant 0 : i32
    return %arg0, %c0_i32 : i32, i32
  }
  func.func @transform_2(%arg0: i32) -> (i32, i32) {
    %c0_i32 = arith.constant 0 : i32
    %c0_i32_0 = arith.constant 0 : i32
    return %arg0, %c0_i32 : i32, i32
  }
  func.func @transform_3(%arg0: i32) -> (i32, i32) {
    %c0_i32 = arith.constant 0 : i32
    %c0_i32_0 = arith.constant 0 : i32
    return %arg0, %c0_i32 : i32, i32
  }
}

</mosaic_0001>

<sc_bundles>
// kernel: kernel.5.cloned.1.call-start
scs
__scs_entry_jumppad:
0x0: {  	(pc) =	sbr.rel $0x88, $3  }
0x1: {  	(tag) =	ssettag $0x0;
	lr =	simm.s32 $0x1  }
0x2: {  	[smem:$0x3F99] =	sst lr;
	_ =	strace $0xD0000000  }
0x3: {  	_ = 	snop  }
0x4: {  	_ = 	snop  }
0x5: {  	_ = 	snop  }
0x6: {  	_ = 	snop  }
0x7: {  	_ = 	snop  }
__scs_overlays_trampoline_lowered:
0x8: {  	[smem:$0x3FA8] =	sst s0  }
0x9: {  	[smem:$0x3FA9] =	sst s1  }
0xa: {  	[smem:$0x3FAA] =	sst s2  }
0xb: {  	[smem:$0x3FAB] =	sst s3  }
0xc: {  	[smem:$0x3FAC] =	sst s4  }
0xd: {  	[smem:$0x3FAD] =	sst s5  }
0xe: {  	[smem:$0x3FAE] =	sst s6  }
0xf: {  	[smem:$0x3FAF] =	sst s7  }
0x10: {  	[smem:$0x3FB0] =	sst s8  }
0x11: {  	[smem:$0x3FB1] =	sst s9;
	s0 =	simm.s32 @!p0 $0x0  }
0x12: {  	s1 =	sld [smem:$0x3F97];
	s0 =	simm.s32 @p0 $0x1  }
0x13: {  	[smem:$0x3FB2] =	sst s0;
	s0 =	simm.s32 @!p1 $0x0  }
0x14: {  	s2 =	sld [smem:$0x3F96];
	s0 =	simm.s32 @p1 $0x1  }
0x15: {  	[smem:$0x3FB3] =	sst s0;
	s0 =	simm.s32 @!p2 $0x0  }
0x16: {  	s3 =	sld [smem:$0x3FDB];
	s0 =	simm.s32 @p2 $0x1  }
0x17: {  	s4 =	simm.s32 $0x1BF5;
	[smem:$0x3FB5] =	sst s0  }
0x18: {  	s0 =	sld [smem:$0x3F98];
	_ =	swait.ge [sflag:s4], $0x0  }
0x19: {  	s7 =	sld [smem:$0x3F99]  }
0x1a: {  	s8 =	sadd.s32 $0xFFFFE003, lr  }
0x1b: {  	s9 =	sadd.s32 $0xFFFFFEF7, lr;
	s5 =	simm.s32 $0xFFFFFFFF;
	p2 =	slt.u32 s8, $0xFFFFF086  }
0x1c: {  	p1 =	slt.u32 s9, $0xF7A;
	s5 =	simm.s32 @!p2 $0x0  }
0x1d: {  	s5 =	simm.s32 @p1 $0x1;
	p0 =	seq.s32 s7, s2  }
0x1e: {  	s7 =	smul.u32 @!p0 $0xF7A, s2;
	p2 =	seq.s32 @!p0 s5, $0x0  }
0x1f: {  	s9 =	smul.u32 $0xF7A, s1;
	s8 =	simm.s32 @!p0 $0x1BF5;
	p2 =	por !p2, p0  }
0x20: {  	[sflag:s8] =	ssyncset.s32 @!p0 $0xFFFFF086;
	s6 =	sadd.s32 @!p0 s3, s7;
	s7 =	simm.s32 @!p0 $0x108  }
0x21: {  	s3 =	sadd.s32 s3, s9;
	s6 =	sadd.s32 @!p0 $0x88, s6;
	s7 =	simm.s32 @p2 $0x1082  }
0x22: {  	[simem:s7], [sflag:s8] =	dma.local @!p0 [hbm:s6], $0xF7A  }
0x23: {  	s9 =	sor.u32 $0xD0000000, s2;
	s6 =	simm.s32 $0x108;
	_ =	swait.ge @!p0 [sflag:s8], $0x0  }
0x24: {  	s3 =	sadd.s32 $0x88, s3;
	s6 =	simm.s32 @!p1 $0x1082;
	[sflag:s4] =	ssyncset.s32 $0xFFFFF086  }
0x25: {  	[simem:s6], [sflag:s4] =	dma.local [hbm:s3], $0xF7A  }
0x26: {  	[smem:$0x3F99] =	sst s1;
	(tag) =	ssettag s2;
	_ =	strace s9  }
0x27: {  	s1 =	sld [smem:$0x3FA9]  }
0x28: {  	s2 =	sld [smem:$0x3FAA]  }
0x29: {  	s4 =	sld [smem:$0x3FAC]  }
0x2a: {  	p0 =	seq.s32 s5, $0x0;
	s5 =	sld [smem:$0x3FAD]  }
0x2b: {  	s6 =	sld [smem:$0x3FAE]  }
0x2c: {  	s7 =	sld [smem:$0x3FAF]  }
0x2d: {  	s3 =	simm.s32 $0x108;
	s8 =	sld [smem:$0x3FB0]  }
0x2e: {  	s3 =	simm.s32 @!p0 $0x1082;
	s9 =	sld [smem:$0x3FB1]  }
0x2f: {  	lr =	sadd.s32 s0, s3;
	s0 =	sld [smem:$0x3FA8]  }
0x30: {  	s3 =	sld [smem:$0x3FAB]  }
0x31: {  	[smem:$0x3FB4] =	sst s10  }
0x32: {  	s10 =	sld [smem:$0x3FB2];
	_ =	sdelay $0x3  }
0x33: {  	p0 =	seq.s32 s10, $0x1;
	s10 =	sld [smem:$0x3FB4];
	_ =	sdelay $0x3  }
0x34: {  	[smem:$0x3FB4] =	sst s10  }
0x35: {  	s10 =	sld [smem:$0x3FB3];
	_ =	sdelay $0x3  }
0x36: {  	p1 =	seq.s32 s10, $0x1;
	s10 =	sld [smem:$0x3FB4];
	_ =	sdelay $0x3  }
0x37: {  	[smem:$0x3FB4] =	sst s10  }
0x38: {  	s10 =	sld [smem:$0x3FB5]  }
0x39: {  	_ = 	snop;
	(pc) =	sbr.ind lr, $3  }
0x3a: {  	_ = 	snop  }
0x3b: {  	_ = 	snop  }
0x3c: {  	p2 =	seq.s32 s10, $0x1;
	s10 =	sld [smem:$0x3FB4]  }
0x3d: {  	_ =	shalt  }
0x3e: {  	_ =	shalt  }
0x3f: {  	_ =	shalt  }
0x40: {  	_ =	shalt  }
0x41: {  	_ =	shalt  }
0x42: {  	_ =	shalt  }
0x43: {  	_ =	shalt  }
0x44: {  	_ =	shalt  }
0x45: {  	_ =	shalt  }
0x46: {  	_ =	shalt  }
0x47: {  	_ =	shalt  }
0x48: {  	_ =	shalt  }
0x49: {  	_ =	shalt  }
0x4a: {  	_ =	shalt  }
0x4b: {  	_ =	shalt  }
0x4c: {  	_ =	shalt  }
0x4d: {  	_ =	shalt  }
0x4e: {  	_ =	shalt  }
0x4f: {  	_ =	shalt  }
0x50: {  	_ =	shalt  }
0x51: {  	_ =	shalt  }
0x52: {  	_ =	shalt  }
0x53: {  	_ =	shalt  }
0x54: {  	_ =	shalt  }
0x55: {  	_ =	shalt  }
0x56: {  	_ =	shalt  }
0x57: {  	_ =	shalt  }
0x58: {  	_ =	shalt  }
0x59: {  	_ =	shalt  }
0x5a: {  	_ =	shalt  }
0x5b: {  	_ =	shalt  }
0x5c: {  	_ =	shalt  }
0x5d: {  	_ =	shalt  }
0x5e: {  	_ =	shalt  }
0x5f: {  	_ =	shalt  }
0x60: {  	_ =	shalt  }
0x61: {  	_ =	shalt  }
0x62: {  	_ =	shalt  }
0x63: {  	_ =	shalt  }
0x64: {  	_ =	shalt  }
0x65: {  	_ =	shalt  }
0x66: {  	_ =	shalt  }
0x67: {  	_ =	shalt  }
0x68: {  	_ =	shalt  }
0x69: {  	_ =	shalt  }
0x6a: {  	_ =	shalt  }
0x6b: {  	_ =	shalt  }
0x6c: {  	_ =	shalt  }
0x6d: {  	_ =	shalt  }
0x6e: {  	_ =	shalt  }
0x6f: {  	_ =	shalt  }
0x70: {  	_ =	shalt  }
0x71: {  	_ =	shalt  }
0x72: {  	_ =	shalt  }
0x73: {  	_ =	shalt  }
0x74: {  	_ =	shalt  }
0x75: {  	_ =	shalt  }
0x76: {  	_ =	shalt  }
0x77: {  	_ =	shalt  }
0x78: {  	_ =	shalt  }
0x79: {  	_ =	shalt  }
0x7a: {  	_ =	shalt  }
0x7b: {  	_ =	shalt  }
0x7c: {  	_ =	shalt  }
0x7d: {  	_ =	shalt  }
0x7e: {  	_ =	shalt  }
0x7f: {  	_ =	shalt  }
0x80: {  	_ =	shalt  }
0x81: {  	_ =	shalt  }
0x82: {  	_ =	shalt  }
0x83: {  	_ =	shalt  }
0x84: {  	_ =	shalt  }
0x85: {  	_ =	shalt  }
0x86: {  	_ =	shalt  }
0x87: {  	_ =	shalt  }
.Lfunc_end0:
.L_simem_size_0:
called_computation_lowered:
.L_overlay_start_0:
0x88: {  	s2 =	sld [smem:$0x3FD9]  }
0x89: {  	s3 =	sld [smem:$0x3FFE];
	_ =	sdelay $0x1  }
0x8a: {  	s1 =	srdreg.scid  }
0x8b: {  	s0 =	sand.u32 $0x1, s1  }
0x8c: {  	s17 =	sshll.u32 s0, $0xA;
	s2 =	sadd.s32 s3, s2  }
0x8d: {  	s2 =	sadd.s32 s2, s17  }
0x8e: {  	[smem:$0x3FC0] =	sst s2  }
0x8f: {  	_ = 	snop  }
0x90: {  	s2 =	sld [smem:$0x3FD0];
	(tm) =	ssettm $0x1  }
0x91: {  	s18 =	sld [smem:$0x3FFB];
	_ =	sdelay $0x3  }
0x92: {  	_ =	strace s18  }
0x93: {  	s3 =	sld [smem:$0x3FFC];
	_ =	sdelay $0x3  }
0x94: {  	_ =	strace s3  }
0x95: {  	s3 =	sld [smem:$0x3FFD];
	_ =	sdelay $0x3  }
0x96: {  	_ =	strace s3  }
0x97: {  	_ =	strace $0x8FFFFFFF  }
0x98: {  	s19 =	sld [smem:$0x3FDB];
	_ =	sdelay $0x1  }
0x99: {  	s4 =	simm.s32 $_scs_section_size  }
0x9a: {  	s5 =	simm.s32 $_size__tile_overlayer_lowered;
	s6 =	simm.s32 $_tile_overlayer_lowered  }
0x9b: {  	s22 =	simm.s32 $0x1BFF;
	s21 =	sshll.u32 s6, $0x1;
	s3 =	sadd.s32 s4, s19  }
0x9c: {  	s7 =	simm.s32 $0x0;
	s20 =	sshll.u32 s5, $0x1;
	s5 =	sadd.s32 s21, s3  }
0x9d: {  	[timem:s7], [sflag:s22] =	dma.local [hbm:s5], s20  }
0x9e: {  	_ =	swait.ge [sflag:s22], s20  }
0x9f: {  	s4 =	ssub.s32 $0x0, s20;
	[sflag:s22] =	ssyncset.done $0x0  }
0xa0: {  	[sflag:s22] =	ssyncadd.s32 s4;
	_ =	sdelay $0x1  }
0xa1: {  	s23 =	simm.s32 $0x1B8B  }
0xa2: {  	_ =	swait.ge [sflag:s23], $0x1  }
0xa3: {  	[sflag:s23] =	ssyncset.done $0x0  }
0xa4: {  	s25 =	simm.s32 $0x1B8E;
	s24 =	sld [smem:$0x3FFE];
	[sflag:s23] =	ssyncadd.s32 $0xFFFFFFFF  }
0xa5: {  	s26 =	simm.s32 $execute0_lowered;
	[smem:$0x3FD2] =	sst s25  }
0xa6: {  	s5 =	sshll.u32 s26, $0x1;
	_ =	strace $0x80000046;
	[dreg:$0x1] =	wrdreg $0xFFFFFFFF  }
0xa7: {  	s28 =	simm.s32 $_size_execute0_lowered;
	s3 =	sadd.s32 s3, s5;
	[dreg:$0x0] =	wrdreg $0x0  }
0xa8: {  	s5 =	sshll.u32 s28, $0x1;
	[dreg:$0x2] =	wrdreg s3  }
0xa9: {  	[dreg:$0x3] =	wrdreg s5  }
0xaa: {  	[dreg:$0x4] =	wrdreg $0xC0  }
0xab: {  	_ =	task [dreg:s7], $0x5FFFF  }
0xac: {  	[dreg:$0x1] =	wrdreg $0xFFFFFFFF  }
0xad: {  	[dreg:$0x0] =	wrdreg $0x60  }
0xae: {  	[dreg:$0x2] =	wrdreg s2  }
0xaf: {  	[dreg:$0x3] =	wrdreg s24  }
0xb0: {  	[dreg:$0x4] =	wrdreg $0x87000  }
0xb1: {  	[dreg:$0x5] =	wrdreg $0x1C3000  }
0xb2: {  	[dreg:$0x6] =	wrdreg $0x9  }
0xb3: {  	_ =	task.clear_ibuf [dreg:s7], $0x7FFFF;
	_ =	strace $0x90000046  }
0xb4: {  	s29 =	simm.s32 $0x9;
	_ =	strace $0x80000048  }
0xb5: {  	_ =	swait.ge [sflag:s29], $0x1  }
0xb6: {  	[sflag:s29] =	ssyncadd.s32 $0xFFFFFFFF  }
0xb7: {  	_ =	strace $0x90000048  }
0xb8: {  	_ =	sfence  }
0xb9: {  	s30 =	sld [smem:$0x0];
	_ =	sdelay $0x2  }
0xba: {  	s31 =	sshll.u32 s1, $0xD;
	s1 =	sshrl.u32 s1, $0x2  }
0xbb: {  	s3 =	sand.u32 $0x4000, s31;
	s1 =	sadd.s32 s1, s30  }
0xbc: {  	s0 =	sor.u32 s3, s0;
	s1 =	sshll.u32 s1, $0x11  }
0xbd: {  	s0 =	sor.u32 s1, s0  }
0xbe: {  	s0 =	sadd.s32 $0x8F2B, s0  }
0xbf: {  	[sflag:s0] =	ssyncadd.remote.s32 $0x1  }
0xc0: {  	_ =	sfence.sel $0xFFFF  }
0xc1: {  	[dreg:$0x0] =	wrdreg $0xFFFFFFFF;
	(pc) =	sbr.abs _section_cstart, $3  }
0xc2: {  	[dreg:$0x1] =	wrdreg $0xFFFFFFFF  }
0xc3: {  	_ =	task.clear_ibuf [dreg:s7], $0x2FFFF;
	_ =	strace $0x9FFFFFFF  }
0xc4: {  	(tm) =	ssettm $0x7FFFFFFF  }
0xc5: {  	_ =	shalt  }
tec
execute0_lowered:
.L_overlay_start_1:
0x0: {  	(tag) =	ssettag $0x1  }
0x1: {  	s13 =	rddreg [dreg:$0x0]  }
0x2: {  	s0 =	rddreg [dreg:$0x1]  }
0x3: {  	s2 =	srdreg.scid;
	s1 =	rddreg [dreg:$0x2]  }
0x4: {  	s8 =	stileid.u32;
	s14 =	rddreg [dreg:$0x3];
	s5 =	simm.s32 $0x0  }
0x5: {  	s10 =	simm.s32 $0x8300;
	s11 =	simm.s32 $0xF;
	s15 =	simm.s32 $0x4180  }
0x6: {  	s16 =	simm.s32 $0x80;
	s17 =	simm.s32 $0x4200;
	s18 =	simm.s32 $0x1  }
0x7: {  	s19 =	simm.s32 $0x2;
	s20 =	simm.s32 $0x40;
	s28 =	simm.s32 $0x3  }
0x8: {  	s29 =	simm.s32 $0x4;
	s30 =	simm.s32 $0x5;
	s4 =	smul.u32 $0x2780, s8  }
0x9: {  	s31 =	simm.s32 $0xA;
	s12 =	simm.s32 $0xE;
	s7 =	smul.u32 $0x13C00, s8  }
0xa: {  	s2 =	sand.u32 $0x1, s2;
	[smem:$0x7FF] =	sst s5;
	s22 =	smul.u32 $0x4F000, s8  }
0xb: {  	s9 =	sadd.s32 $0x78600, s0;
	p0 =	sne.s32 s8, $0x0;
	s3 =	smul.u32 $0x27800, s2  }
0xc: {  	s8 =	simm.s32 $0x7;
	s6 =	smul.u32 $0x13C000, s2;
	_ =	strace $0x80000047  }
0xd: {  	[dreg:$0x8] =	wrdreg s9;
	s2 =	ssub.s32 $0x2, s2;
	s9 =	simm.s32 $0xD  }
0xe: {  	s23 =	sshrl.u32 s2, $0x1;
	s3 =	sadd.s32 s4, s3;
	s21 =	sadd.s32 s7, s6  }
0xf: {  	s6 =	sshrl.u32 s22, $0x2;
	s2 =	ssub.s32 s2, s23;
	s22 =	simm.s32 $0x4280  }
0x10: {  	s23 =	simm.s32 $0x8;
	s3 =	sshrl.u32 s3, $0x3;
	s4 =	sshrl.u32 s21, $0x3  }
0x11: {  	s7 =	sadd.s32 s6, s1;
	s2 =	smax.u32 s2, $0x1;
	s21 =	simm.s32 $0x100  }
0x12: {  	s3 =	sadd.s32 s3, s0;
	s0 =	sadd.s32 s4, s0;
	[dreg:$0xb] =	wrdreg s2  }
0x13: {  	s6 =	simm.s32 $0x6;
	[dreg:$0x9] =	wrdreg s7;
	s0 =	sadd.s32 $0x96E00, s0  }
0x14: {  	s2 =	simm.s32 $0xB;
	s24 =	sadd.s32 $0x79400, s3;
	[dreg:$0xa] =	wrdreg s0  }
0x15: {  	s4 =	simm.s32 $0x0;
	s25 =	sadd.s32 $0x8D000, s3;
	[dreg:$0x5] =	wrdreg s24  }
0x16: {  	s26 =	sadd.s32 $0x83200, s3;
	s3 =	simm.s32 $0xC;
	[dreg:$0x6] =	wrdreg s25  }
0x17: {  	[dreg:$0x7] =	wrdreg s26;
	s0 =	sshrl.u32 @!p0 s14, $0x3;
	s24 =	simm.s32 $0x9  }
0x18: {  	v0 =	vimm.f32 $0.0e+00;
	s25 =	simm.s32 $0x2180;
	s26 =	simm.s32 $0x4300;
	[dreg:$0xc] =	wrdreg s0  }
.LBB2_1:
0x19: {  	[tilespmem:$0x8300] =	vst v0  }
0x1a: {  	[tilespmem:$0x8310] =	vst v0  }
0x1b: {  	[tilespmem:$0x8320] =	vst v0  }
0x1c: {  	[tilespmem:$0x8330] =	vst v0  }
0x1d: {  	[tilespmem:$0x8340] =	vst v0  }
0x1e: {  	[tilespmem:$0x8350] =	vst v0  }
0x1f: {  	[tilespmem:$0x8360] =	vst v0  }
0x20: {  	[tilespmem:$0x8370] =	vst v0  }
0x21: {  	[tilespmem:$0x8380] =	vst v0  }
0x22: {  	[tilespmem:$0x8390] =	vst v0  }
0x23: {  	[tilespmem:$0x83A0] =	vst v0  }
0x24: {  	[tilespmem:$0x83B0] =	vst v0  }
0x25: {  	[tilespmem:$0x83C0] =	vst v0  }
0x26: {  	[tilespmem:$0x83D0] =	vst v0  }
0x27: {  	[tilespmem:$0x83E0] =	vst v0  }
0x28: {  	[tilespmem:$0x83F0] =	vst v0  }
0x29: {  	[tilespmem:$0x8400] =	vst v0  }
0x2a: {  	[tilespmem:$0x8410] =	vst v0  }
0x2b: {  	[tilespmem:$0x8420] =	vst v0  }
0x2c: {  	[tilespmem:$0x8430] =	vst v0  }
0x2d: {  	[tilespmem:$0x8440] =	vst v0  }
0x2e: {  	[tilespmem:$0x8450] =	vst v0  }
0x2f: {  	[tilespmem:$0x8460] =	vst v0  }
0x30: {  	[tilespmem:$0x8470] =	vst v0  }
0x31: {  	[tilespmem:$0x8480] =	vst v0  }
0x32: {  	[tilespmem:$0x8490] =	vst v0  }
0x33: {  	[tilespmem:$0x84A0] =	vst v0  }
0x34: {  	[tilespmem:$0x84B0] =	vst v0  }
0x35: {  	[tilespmem:$0x84C0] =	vst v0  }
0x36: {  	[tilespmem:$0x84D0] =	vst v0  }
0x37: {  	[tilespmem:$0x84E0] =	vst v0  }
0x38: {  	[tilespmem:$0x84F0] =	vst v0  }
0x39: {  	[tilespmem:$0x8500] =	vst v0  }
0x3a: {  	[tilespmem:$0x8510] =	vst v0  }
0x3b: {  	[tilespmem:$0x8520] =	vst v0  }
0x3c: {  	[tilespmem:$0x8530] =	vst v0  }
0x3d: {  	[tilespmem:$0x8540] =	vst v0  }
0x3e: {  	[tilespmem:$0x8550] =	vst v0  }
0x3f: {  	[tilespmem:$0x8560] =	vst v0  }
0x40: {  	[tilespmem:$0x8570] =	vst v0  }
0x41: {  	[tilespmem:$0x8580] =	vst v0  }
0x42: {  	[tilespmem:$0x8590] =	vst v0  }
0x43: {  	[tilespmem:$0x85A0] =	vst v0  }
0x44: {  	[tilespmem:$0x85B0] =	vst v0  }
0x45: {  	[tilespmem:$0x85C0] =	vst v0  }
0x46: {  	[tilespmem:$0x85D0] =	vst v0  }
0x47: {  	[tilespmem:$0x85E0] =	vst v0  }
0x48: {  	[tilespmem:$0x85F0] =	vst v0  }
0x49: {  	[tilespmem:$0x8600] =	vst v0  }
0x4a: {  	[tilespmem:$0x8610] =	vst v0  }
0x4b: {  	[tilespmem:$0x8620] =	vst v0  }
0x4c: {  	[tilespmem:$0x8630] =	vst v0  }
0x4d: {  	[tilespmem:$0x8640] =	vst v0  }
0x4e: {  	[tilespmem:$0x8650] =	vst v0  }
0x4f: {  	[tilespmem:$0x8660] =	vst v0  }
0x50: {  	[tilespmem:$0x8670] =	vst v0  }
0x51: {  	[tilespmem:$0x8680] =	vst v0  }
0x52: {  	[tilespmem:$0x8690] =	vst v0  }
0x53: {  	[tilespmem:$0x86A0] =	vst v0  }
0x54: {  	[tilespmem:$0x86B0] =	vst v0  }
0x55: {  	[tilespmem:$0x86C0] =	vst v0  }
0x56: {  	[tilespmem:$0x86D0] =	vst v0  }
0x57: {  	[tilespmem:$0x86E0] =	vst v0  }
0x58: {  	[dreg:$0xd] =	wrdreg s4;
	[tilespmem:$0x86F0] =	vst v0;
	s0 =	sadd.s32 $0x0, s7  }
0x59: {  	[spmem:s0] =	stream.linear.scatter [tilespmem:s10], [sflag:$0xF], $0x400, $0x38;
	[tilespmem:$0x1C940] =	vst v63  }
0x5a: {  	s0 =	simm.s32 $0x1000;
	_ =	swait.ge [sflag:s11], $0x400  }
.LBB2_2:
0x5b: {  	s4 =	sshra.s32 s0, $0x2;
	[sflag:s11] =	ssyncset.done $0x0;
	p1 =	sne.s32 s0, $0x4E000  }
.Ltmp0:
0x5c: {  	s4 =	sadd.s32 s4, s7;
	[sflag:s11] =	ssyncadd.s32 $0xFFFFFC00;
	(pc) =	sbr.rel @p1 .LBB2_2-.Ltmp0, $3  }
0x5d: {  	[spmem:s4] =	stream.linear.scatter [tilespmem:s10], [sflag:$0xF], $0x400, $0x38;
	[tilespmem:$0x1C940] =	vst v63  }
0x5e: {  	s0 =	sadd.s32 $0x1000, s0;
	_ =	sdelay $0x1  }
0x5f: {  	_ =	swait.ge [sflag:s11], $0x400  }
0x60: {  	[sflag:s11] =	ssyncset.done $0x0;
	s4 =	rddreg [dreg:$0x8]  }
0x61: {  	s0 =	simm.s32 @!p0 $0x1C0F;
	s7 =	rddreg [dreg:$0xc];
	[sflag:s11] =	ssyncadd.s32 $0xFFFFFC00  }
0x62: {  	[spmem:s7], [sflag:s0] =	dma.local @!p0 [hbm:s4], $0xC80  }
0x63: {  	s0 =	simm.s32 @!p0 $0xF  }
0x64: {  	_ =	swait.ge @!p0 [sflag:s0], $0xC80  }
0x65: {  	[sflag:s0] =	ssyncset.done @!p0 $0x0  }
0x66: {  	[sflag:s0] =	ssyncadd.s32 @!p0 $0xFFFFF380  }
0x67: {  	[bflag:$0x0] =	sbarrier.arrive $0xFFFF  }
0x68: {  	s10 =	rddreg [dreg:$0x5]  }
0x69: {  	s11 =	rddreg [dreg:$0x6];
	s0 =	sadd.s32 $0x0, s10  }
0x6a: {  	[tilespmem:s5], [sflag:$0x1] =	stream.linear.gather [hbm4b:s0+s5], $0x40, $0x38;
	[tilespmem:$0x1C940] =	vst v63  }
0x6b: {  	s4 =	sadd.s32 $0x0, s11  }
0x6c: {  	[tilespmem:s21], [sflag:$0x2] =	stream.linear.gather [hbm4b:s4+s5], $0x40, $0x38;
	[tilespmem:$0x1C940] =	vst v63  }
0x6d: {  	s0 =	sadd.s32 $0x8, s0  }
0x6e: {  	[tilespmem:s15], [sflag:$0x8] =	stream.linear.gather [hbm4b:s0+s5], $0x40, $0x38;
	[tilespmem:$0x1C940] =	vst v63  }
0x6f: {  	s10 =	rddreg [dreg:$0x7];
	s4 =	sadd.s32 $0x8, s4  }
0x70: {  	[tilespmem:s22], [sflag:$0x9] =	stream.linear.gather [hbm4b:s4+s5], $0x40, $0x38;
	[tilespmem:$0x1C940] =	vst v63  }
0x71: {  	s7 =	sadd.s32 $0x0, s10  }
0x72: {  	[tilespmem:s16], [sflag:$0x3] =	stream.linear.gather [hbm4b:s7+s5], $0x40, $0x38;
	[tilespmem:$0x1C940] =	vst v63  }
0x73: {  	s0 =	sadd.s32 $0x8, s7  }
0x74: {  	[tilespmem:s17], [sflag:$0xA] =	stream.linear.gather [hbm4b:s0+s5], $0x40, $0x38;
	[tilespmem:$0x1C940] =	vst v63  }
0x75: {  	_ =	swait.ge [sflag:s18], $0x40  }
0x76: {  	[sflag:s18] =	ssyncset.done $0x0  }
0x77: {  	[sflag:s18] =	ssyncadd.s32 $0xFFFFFFC0  }
0x78: {  	_ =	swait.ge [sflag:s19], $0x40  }
0x79: {  	[sflag:s19] =	ssyncset.done $0x0  }
0x7a: {  	s10 =	simm.s32 $0x180;
	[sflag:s19] =	ssyncadd.s32 $0xFFFFFFC0  }
0x7b: {  	[tilespmem:s10], [sflag:$0x4] =	stream.indirect.gather [hbm4b:s13+s20], $0x80, s5, s20, $0xb8;
	[tilespmem:$0x1C940] =	vst v63  }
0x7c: {  	_ = 	snop  }
0x7d: {  	[tilespmem:s25], [sflag:$0x5] =	stream.indirect.gather [spmem:s14], $0x80, s21, s20, $0xb8;
	[tilespmem:$0x1C940] =	vst v63  }
0x7e: {  	_ =	swait.ge [sflag:s23], $0x40  }
0x7f: {  	[sflag:s23] =	ssyncset.done $0x0  }
0x80: {  	[sflag:s23] =	ssyncadd.s32 $0xFFFFFFC0  }
0x81: {  	_ =	swait.ge [sflag:s24], $0x40  }
0x82: {  	[sflag:s24] =	ssyncset.done $0x0  }
0x83: {  	[sflag:s24] =	ssyncadd.s32 $0xFFFFFFC0  }
0x84: {  	[tilespmem:s26], [sflag:$0xB] =	stream.indirect.gather [hbm4b:s13+s20], $0x80, s15, s20, $0xb8;
	[tilespmem:$0x1C940] =	vst v63  }
0x85: {  	s11 =	simm.s32 $0x6300  }
0x86: {  	[tilespmem:s11], [sflag:$0xC] =	stream.indirect.gather [spmem:s14], $0x80, s22, s20, $0xb8;
	[tilespmem:$0x1C940] =	vst v63  }
0x87: {  	_ =	swait.ge [sflag:s28], $0x40  }
0x88: {  	[sflag:s28] =	ssyncset.done $0x0  }
0x89: {  	[sflag:s28] =	ssyncadd.s32 $0xFFFFFFC0  }
0x8a: {  	_ =	swait.ge [sflag:s29], $0x2000  }
0x8b: {  	[sflag:s29] =	ssyncset.done $0x0  }
0x8c: {  	[sflag:s29] =	ssyncadd.s32 $0xFFFFE000  }
0x8d: {  	_ =	swait.ge [sflag:s30], $0x2000  }
0x8e: {  	[sflag:s30] =	ssyncset.done $0x0  }
0x8f: {  	[sflag:s30] =	ssyncadd.s32 $0xFFFFE000  }
0x90: {  	[spmem:s1] =	stream.indirect.scatter.add.f32 [tilespmem:s10], [sflag:$0x6], $0x80, s16, s20, $0xb8;
	[tilespmem:$0x1C940] =	vst v63  }
0x91: {  	_ = 	snop  }
0x92: {  	[spmem:s1] =	stream.indirect.scatter.add.f32 [tilespmem:s25], [sflag:$0x7], $0x80, s16, s20, $0xb8;
	[tilespmem:$0x1C940] =	vst v63  }
0x93: {  	_ =	swait.ge [sflag:s31], $0x40  }
0x94: {  	[sflag:s31] =	ssyncset.done $0x0  }
0x95: {  	[sflag:s31] =	ssyncadd.s32 $0xFFFFFFC0  }
0x96: {  	_ =	swait.ge [sflag:s2], $0x2000  }
0x97: {  	[sflag:s2] =	ssyncset.done $0x0  }
0x98: {  	[sflag:s2] =	ssyncadd.s32 $0xFFFFE000  }
0x99: {  	_ =	swait.ge [sflag:s3], $0x2000  }
0x9a: {  	[sflag:s3] =	ssyncset.done $0x0  }
0x9b: {  	[sflag:s3] =	ssyncadd.s32 $0xFFFFE000  }
0x9c: {  	[spmem:s1] =	stream.indirect.scatter.add.f32 [tilespmem:s26], [sflag:$0xD], $0x80, s17, s20, $0xb8;
	[tilespmem:$0x1C940] =	vst v63  }
0x9d: {  	_ = 	snop  }
0x9e: {  	[spmem:s1] =	stream.indirect.scatter.add.f32 [tilespmem:s11], [sflag:$0xE], $0x80, s17, s20, $0xb8;
	[tilespmem:$0x1C940] =	vst v63  }
0x9f: {  	_ =	swait.ge [sflag:s6], $0x2000  }
0xa0: {  	[sflag:s6] =	ssyncset.done $0x0  }
0xa1: {  	[sflag:s6] =	ssyncadd.s32 $0xFFFFE000  }
0xa2: {  	_ =	swait.ge [sflag:s8], $0x2000  }
0xa3: {  	[sflag:s8] =	ssyncset.done $0x0  }
0xa4: {  	[sflag:s8] =	ssyncadd.s32 $0xFFFFE000  }
0xa5: {  	_ =	swait.ge [sflag:s9], $0x2000  }
0xa6: {  	[sflag:s9] =	ssyncset.done $0x0  }
0xa7: {  	[sflag:s9] =	ssyncadd.s32 $0xFFFFE000  }
0xa8: {  	s0 =	simm.s32 $0x20;
	_ =	swait.ge [sflag:s12], $0x2000  }
0xa9: {  	s10 =	simm.s32 $0x10;
	s4 =	rddreg [dreg:$0x5];
	[sflag:s12] =	ssyncset.done $0x0  }
.LBB2_4:
0xaa: {  	[sflag:s12] =	ssyncadd.s32 $0xFFFFE000  }
0xab: {  	s15 =	smov.u32 s13;
	s13 =	rddreg [dreg:$0x6];
	s4 =	sadd.s32 s10, s4  }
0xac: {  	[tilespmem:s5], [sflag:$0x1] =	stream.linear.gather [hbm4b:s4+s5], $0x40, $0x38;
	[tilespmem:$0x1C940] =	vst v63  }
0xad: {  	s13 =	sadd.s32 s10, s13  }
0xae: {  	[tilespmem:s21], [sflag:$0x2] =	stream.linear.gather [hbm4b:s13+s5], $0x40, $0x38;
	[tilespmem:$0x1C940] =	vst v63  }
0xaf: {  	s22 =	simm.s32 $0x4180;
	s4 =	sadd.s32 $0x8, s4;
	s21 =	smov.u32 s14  }
0xb0: {  	[tilespmem:s22], [sflag:$0x8] =	stream.linear.gather [hbm4b:s4+s5], $0x40, $0x38;
	[tilespmem:$0x1C940] =	vst v63  }
0xb1: {  	s14 =	rddreg [dreg:$0x7];
	s22 =	simm.s32 $0x4280;
	s4 =	sadd.s32 $0x8, s13  }
0xb2: {  	[tilespmem:s22], [sflag:$0x9] =	stream.linear.gather [hbm4b:s4+s5], $0x40, $0x38;
	[tilespmem:$0x1C940] =	vst v63  }
0xb3: {  	s4 =	sadd.s32 s10, s14  }
0xb4: {  	[tilespmem:s16], [sflag:$0x3] =	stream.linear.gather [hbm4b:s4+s5], $0x40, $0x38;
	[tilespmem:$0x1C940] =	vst v63  }
0xb5: {  	s4 =	sadd.s32 $0x8, s4  }
0xb6: {  	[tilespmem:s17], [sflag:$0xA] =	stream.linear.gather [hbm4b:s4+s5], $0x40, $0x38;
	[tilespmem:$0x1C940] =	vst v63  }
0xb7: {  	_ =	swait.ge [sflag:s18], $0x40  }
0xb8: {  	[sflag:s18] =	ssyncset.done $0x0  }
0xb9: {  	[sflag:s18] =	ssyncadd.s32 $0xFFFFFFC0  }
0xba: {  	_ =	swait.ge [sflag:s19], $0x40  }
0xbb: {  	s7 =	smov.u32 s0;
	s13 =	smov.u32 s15;
	[sflag:s19] =	ssyncset.done $0x0  }
0xbc: {  	s10 =	smov.u32 s7;
	s7 =	simm.s32 $0x180;
	[sflag:s19] =	ssyncadd.s32 $0xFFFFFFC0  }
0xbd: {  	[tilespmem:s7], [sflag:$0x4] =	stream.indirect.gather [hbm4b:s13+s20], $0x80, s5, s20, $0xb8;
	[tilespmem:$0x1C940] =	vst v63  }
0xbe: {  	s14 =	smov.u32 s21;
	s21 =	simm.s32 $0x100  }
0xbf: {  	[tilespmem:s25], [sflag:$0x5] =	stream.indirect.gather [spmem:s14], $0x80, s21, s20, $0xb8;
	[tilespmem:$0x1C940] =	vst v63  }
0xc0: {  	_ =	swait.ge [sflag:s23], $0x40  }
0xc1: {  	[sflag:s23] =	ssyncset.done $0x0  }
0xc2: {  	[sflag:s23] =	ssyncadd.s32 $0xFFFFFFC0  }
0xc3: {  	_ =	swait.ge [sflag:s24], $0x40  }
0xc4: {  	[sflag:s24] =	ssyncset.done $0x0  }
0xc5: {  	s15 =	simm.s32 $0x4180;
	[sflag:s24] =	ssyncadd.s32 $0xFFFFFFC0  }
0xc6: {  	[tilespmem:s26], [sflag:$0xB] =	stream.indirect.gather [hbm4b:s13+s20], $0x80, s15, s20, $0xb8;
	[tilespmem:$0x1C940] =	vst v63  }
0xc7: {  	_ = 	snop  }
0xc8: {  	[tilespmem:s11], [sflag:$0xC] =	stream.indirect.gather [spmem:s14], $0x80, s22, s20, $0xb8;
	[tilespmem:$0x1C940] =	vst v63  }
0xc9: {  	_ =	swait.ge [sflag:s28], $0x40  }
0xca: {  	[sflag:s28] =	ssyncset.done $0x0  }
0xcb: {  	[sflag:s28] =	ssyncadd.s32 $0xFFFFFFC0  }
0xcc: {  	_ =	swait.ge [sflag:s29], $0x2000  }
0xcd: {  	[sflag:s29] =	ssyncset.done $0x0  }
0xce: {  	[sflag:s29] =	ssyncadd.s32 $0xFFFFE000  }
0xcf: {  	_ =	swait.ge [sflag:s30], $0x2000  }
0xd0: {  	[sflag:s30] =	ssyncset.done $0x0  }
0xd1: {  	[sflag:s30] =	ssyncadd.s32 $0xFFFFE000  }
0xd2: {  	[spmem:s1] =	stream.indirect.scatter.add.f32 [tilespmem:s7], [sflag:$0x6], $0x80, s16, s20, $0xb8;
	[tilespmem:$0x1C940] =	vst v63  }
0xd3: {  	_ = 	snop  }
0xd4: {  	[spmem:s1] =	stream.indirect.scatter.add.f32 [tilespmem:s25], [sflag:$0x7], $0x80, s16, s20, $0xb8;
	[tilespmem:$0x1C940] =	vst v63  }
0xd5: {  	_ =	swait.ge [sflag:s31], $0x40  }
0xd6: {  	[sflag:s31] =	ssyncset.done $0x0  }
0xd7: {  	[sflag:s31] =	ssyncadd.s32 $0xFFFFFFC0  }
0xd8: {  	_ =	swait.ge [sflag:s2], $0x2000  }
0xd9: {  	[sflag:s2] =	ssyncset.done $0x0  }
0xda: {  	[sflag:s2] =	ssyncadd.s32 $0xFFFFE000  }
0xdb: {  	_ =	swait.ge [sflag:s3], $0x2000  }
0xdc: {  	[sflag:s3] =	ssyncset.done $0x0  }
0xdd: {  	[sflag:s3] =	ssyncadd.s32 $0xFFFFE000  }
0xde: {  	[spmem:s1] =	stream.indirect.scatter.add.f32 [tilespmem:s26], [sflag:$0xD], $0x80, s17, s20, $0xb8;
	[tilespmem:$0x1C940] =	vst v63  }
0xdf: {  	_ = 	snop  }
0xe0: {  	[spmem:s1] =	stream.indirect.scatter.add.f32 [tilespmem:s11], [sflag:$0xE], $0x80, s17, s20, $0xb8;
	[tilespmem:$0x1C940] =	vst v63  }
0xe1: {  	_ =	swait.ge [sflag:s6], $0x2000  }
0xe2: {  	[sflag:s6] =	ssyncset.done $0x0  }
0xe3: {  	[sflag:s6] =	ssyncadd.s32 $0xFFFFE000  }
0xe4: {  	_ =	swait.ge [sflag:s8], $0x2000  }
0xe5: {  	[sflag:s8] =	ssyncset.done $0x0  }
0xe6: {  	p1 =	sne.s32 s0, $0x4E0;
	[sflag:s8] =	ssyncadd.s32 $0xFFFFE000  }
.Ltmp1:
0xe7: {  	_ =	swait.ge [sflag:s9], $0x2000;
	(pc) =	sbr.rel @p1 .LBB2_4-.Ltmp1, $4  }
0xe8: {  	[sflag:s9] =	ssyncset.done $0x0  }
0xe9: {  	[sflag:s9] =	ssyncadd.s32 $0xFFFFE000  }
0xea: {  	_ =	swait.ge [sflag:s12], $0x2000  }
0xeb: {  	s0 =	sadd.s32 $0x10, s0;
	s4 =	rddreg [dreg:$0x5];
	[sflag:s12] =	ssyncset.done $0x0  }
0xec: {  	s0 =	rddreg [dreg:$0x6];
	[sflag:s12] =	ssyncadd.s32 $0xFFFFE000;
	s4 =	sadd.s32 s10, s4  }
0xed: {  	[tilespmem:s5], [sflag:$0x1] =	stream.linear.gather [hbm4b:s4+s5], $0x40, $0x38;
	[tilespmem:$0x1C940] =	vst v63  }
0xee: {  	s0 =	sadd.s32 s10, s0  }
0xef: {  	[tilespmem:s21], [sflag:$0x2] =	stream.linear.gather [hbm4b:s0+s5], $0x40, $0x38;
	[tilespmem:$0x1C940] =	vst v63  }
0xf0: {  	s4 =	sadd.s32 $0x8, s4  }
0xf1: {  	[tilespmem:s15], [sflag:$0x8] =	stream.linear.gather [hbm4b:s4+s5], $0x40, $0x38;
	[tilespmem:$0x1C940] =	vst v63  }
0xf2: {  	s0 =	sadd.s32 $0x8, s0;
	s4 =	rddreg [dreg:$0x7]  }
0xf3: {  	[tilespmem:s22], [sflag:$0x9] =	stream.linear.gather [hbm4b:s0+s5], $0x40, $0x38;
	[tilespmem:$0x1C940] =	vst v63  }
0xf4: {  	s4 =	sadd.s32 s10, s4  }
0xf5: {  	[tilespmem:s16], [sflag:$0x3] =	stream.linear.gather [hbm4b:s4+s5], $0x40, $0x38;
	[tilespmem:$0x1C940] =	vst v63  }
0xf6: {  	s0 =	sadd.s32 $0x8, s4  }
0xf7: {  	[tilespmem:s17], [sflag:$0xA] =	stream.linear.gather [hbm4b:s0+s5], $0x40, $0x38;
	[tilespmem:$0x1C940] =	vst v63  }
0xf8: {  	_ =	swait.ge [sflag:s18], $0x40  }
0xf9: {  	[sflag:s18] =	ssyncset.done $0x0  }
0xfa: {  	[sflag:s18] =	ssyncadd.s32 $0xFFFFFFC0  }
0xfb: {  	_ =	swait.ge [sflag:s19], $0x40  }
0xfc: {  	[sflag:s19] =	ssyncset.done $0x0  }
0xfd: {  	[sflag:s19] =	ssyncadd.s32 $0xFFFFFFC0  }
0xfe: {  	[tilespmem:s7], [sflag:$0x4] =	stream.indirect.gather [hbm4b:s13+s20], $0x80, s5, s20, $0xb8;
	[tilespmem:$0x1C940] =	vst v63  }
0xff: {  	_ = 	snop  }
0x100: {  	[tilespmem:s25], [sflag:$0x5] =	stream.indirect.gather [spmem:s14], $0x80, s21, s20, $0xb8;
	[tilespmem:$0x1C940] =	vst v63  }
0x101: {  	_ =	swait.ge [sflag:s23], $0x40  }
0x102: {  	[sflag:s23] =	ssyncset.done $0x0  }
0x103: {  	[sflag:s23] =	ssyncadd.s32 $0xFFFFFFC0  }
0x104: {  	_ =	swait.ge [sflag:s24], $0x40  }
0x105: {  	[sflag:s24] =	ssyncset.done $0x0  }
0x106: {  	[sflag:s24] =	ssyncadd.s32 $0xFFFFFFC0  }
0x107: {  	[tilespmem:s26], [sflag:$0xB] =	stream.indirect.gather [hbm4b:s13+s20], $0x80, s15, s20, $0xb8;
	[tilespmem:$0x1C940] =	vst v63  }
0x108: {  	_ = 	snop  }
0x109: {  	[tilespmem:s11], [sflag:$0xC] =	stream.indirect.gather [spmem:s14], $0x80, s22, s20, $0xb8;
	[tilespmem:$0x1C940] =	vst v63  }
0x10a: {  	_ =	swait.ge [sflag:s28], $0x40  }
0x10b: {  	[sflag:s28] =	ssyncset.done $0x0  }
0x10c: {  	[sflag:s28] =	ssyncadd.s32 $0xFFFFFFC0  }
0x10d: {  	_ =	swait.ge [sflag:s29], $0x2000  }
0x10e: {  	[sflag:s29] =	ssyncset.done $0x0  }
0x10f: {  	[sflag:s29] =	ssyncadd.s32 $0xFFFFE000  }
0x110: {  	_ =	swait.ge [sflag:s30], $0x2000  }
0x111: {  	[sflag:s30] =	ssyncset.done $0x0  }
0x112: {  	[sflag:s30] =	ssyncadd.s32 $0xFFFFE000  }
0x113: {  	[spmem:s1] =	stream.indirect.scatter.add.f32 [tilespmem:s7], [sflag:$0x6], $0x80, s16, s20, $0xb8;
	[tilespmem:$0x1C940] =	vst v63  }
0x114: {  	_ = 	snop  }
0x115: {  	[spmem:s1] =	stream.indirect.scatter.add.f32 [tilespmem:s25], [sflag:$0x7], $0x80, s16, s20, $0xb8;
	[tilespmem:$0x1C940] =	vst v63  }
0x116: {  	_ =	swait.ge [sflag:s31], $0x40  }
0x117: {  	[sflag:s31] =	ssyncset.done $0x0  }
0x118: {  	[sflag:s31] =	ssyncadd.s32 $0xFFFFFFC0  }
0x119: {  	_ =	swait.ge [sflag:s2], $0x2000  }
0x11a: {  	[sflag:s2] =	ssyncset.done $0x0  }
0x11b: {  	[sflag:s2] =	ssyncadd.s32 $0xFFFFE000  }
0x11c: {  	_ =	swait.ge [sflag:s3], $0x2000  }
0x11d: {  	[sflag:s3] =	ssyncset.done $0x0  }
0x11e: {  	[sflag:s3] =	ssyncadd.s32 $0xFFFFE000  }
0x11f: {  	[spmem:s1] =	stream.indirect.scatter.add.f32 [tilespmem:s26], [sflag:$0xD], $0x80, s17, s20, $0xb8;
	[tilespmem:$0x1C940] =	vst v63  }
0x120: {  	_ = 	snop  }
0x121: {  	[spmem:s1] =	stream.indirect.scatter.add.f32 [tilespmem:s11], [sflag:$0xE], $0x80, s17, s20, $0xb8;
	[tilespmem:$0x1C940] =	vst v63  }
0x122: {  	_ =	swait.ge [sflag:s6], $0x2000  }
0x123: {  	[sflag:s6] =	ssyncset.done $0x0  }
0x124: {  	[sflag:s6] =	ssyncadd.s32 $0xFFFFE000  }
0x125: {  	_ =	swait.ge [sflag:s8], $0x2000  }
0x126: {  	[sflag:s8] =	ssyncset.done $0x0  }
0x127: {  	[sflag:s8] =	ssyncadd.s32 $0xFFFFE000  }
0x128: {  	_ =	swait.ge [sflag:s9], $0x2000  }
0x129: {  	[sflag:s9] =	ssyncset.done $0x0  }
0x12a: {  	[sflag:s9] =	ssyncadd.s32 $0xFFFFE000  }
0x12b: {  	_ =	swait.ge [sflag:s12], $0x2000  }
0x12c: {  	[sflag:s12] =	ssyncset.done $0x0  }
0x12d: {  	[sflag:s12] =	ssyncadd.s32 $0xFFFFE000  }
0x12e: {  	s7 =	stileid.u32;
	[bflag:$0x0] =	sbarrier.arrive $0xFFFF  }
0x12f: {  	s0 =	sshll.u32 s7, $0x6;
	s7 =	rddreg [dreg:$0x9]  }
0x130: {  	s0 =	sor.u32 $0x1C0F, s0;
	s11 =	rddreg [dreg:$0xa];
	s10 =	sshrl.u32 s7, $0x3  }
0x131: {  	[hbm:s11], [sflag:s0] =	dma.local [spmem:s10], $0x2780  }
0x132: {  	s11 =	simm.s32 $0xF  }
0x133: {  	_ =	swait.ge [sflag:s11], $0x2780  }
0x134: {  	s0 =	rddreg [dreg:$0xd]  }
0x135: {  	s10 =	rddreg [dreg:$0xb];
	s4 =	sadd.s32 $0x1, s0  }
0x136: {  	p1 =	sne.s32 s4, s10  }
.Ltmp2:
0x137: {  	_ = 	snop;
	(pc) =	sbr.rel @p1 .LBB2_1-.Ltmp2, $3  }
0x138: {  	_ =	sdelay $0x1  }
0x139: {  	[sflag:s11] =	ssyncset.done $0x0  }
0x13a: {  	[sflag:s11] =	ssyncadd.s32 $0xFFFFD880;
	s10 =	simm.s32 $0x8300  }
0x13b: {  	_ =	sfence.sel $0x180000  }
0x13c: {  	[bflag:$0x0] =	sbarrier.arrive $0xFFFF  }
0x13d: {  	_ =	strace $0x90000047  }
0x13e: {  	[bflag:$0x2] =	sbarrier.arrive $0xFFFF  }
0x13f: {  	s0 =	rddreg [dreg:$0x4]  }
0x140: {  	s0 =	sadd.s32 @!p0 $0x100000, s0  }
0x141: {  	[sflag:s0] =	ssyncadd.tile.s32 @!p0 $0x1;
	_ =	shalt  }
.Lfunc_end2:
_tile_overlayer_lowered:
.L_overlay_start_2:
0x142: {  	(tag) =	ssettag $0x2  }
0x143: {  	s0 =	rddreg [dreg:$0x0];
	s2 =	stileid.u32  }
0x144: {  	s1 =	rddreg [dreg:$0x1];
	p0 =	sne.s32 s2, $0x0  }
0x145: {  	s3 =	rddreg [dreg:$0x2];
	[bflag:$0x3] =	sbarrier.arrive $0xFFFF;
	s2 =	simm.s32 @!p0 $0x1C0F  }
0x146: {  	[timem:s3], [sflag:s2] =	dma.local @!p0 [hbm:s0], s1  }
0x147: {  	s0 =	simm.s32 @!p0 $0xF  }
0x148: {  	_ =	swait.ge @!p0 [sflag:s0], s1  }
0x149: {  	s1 =	ssub.s32 @!p0 $0x0, s1;
	[sflag:s0] =	ssyncset.done @!p0 $0x0  }
0x14a: {  	[sflag:s0] =	ssyncadd.s32 @!p0 s1  }
0x14b: {  	[bflag:$0x3] =	sbarrier.arrive $0xFFFF  }
0x14c: {  	_ =	shalt  }

</sc_bundles>
